<compile_context>
chip_gen: v7x
topology: tpu7x:2x2x1
jax: 0.10.2.dev20260603
libtpu: 0.0.44.dev20260713+nightly
codegen_flags: <defaults>
</compile_context>

<pallas_src>
import functools

import jax
import jax.numpy as jnp
import numpy as np
from jax import lax
from jax.experimental import pallas as pl
from jax.experimental.pallas import tpu as pltpu
from jax.experimental.pallas import tpu_sc as plsc

NC, NS = 2, 16
NW = NC * NS
GATHER_CHUNK = 16
GATHER_RING = 4
TOPK_DENSITY = 0.11


def _sc_gather(ids, table):
    n = ids.shape[0]
    _, d = table.shape
    b_per_w = n // NW
    n_chunks = b_per_w // GATHER_CHUNK
    ring = min(GATHER_RING, n_chunks)
    mesh = plsc.VectorSubcoreMesh(core_axis_name="c", subcore_axis_name="s")

    @functools.partial(
        pl.kernel,
        mesh=mesh,
        out_type=jax.ShapeDtypeStruct((n, d), jnp.float32),
        scratch_types=(
            [pltpu.VMEM((GATHER_CHUNK,), jnp.int32) for _ in range(ring)]
            + [pltpu.VMEM((GATHER_CHUNK, d), jnp.float32) for _ in range(ring)]
            + [pltpu.SemaphoreType.DMA for _ in range(2 * ring)]
        ),
    )
    def gather_kernel(ids_hbm, table_hbm, out_hbm, *bufs):
        idx = bufs[:ring]
        rows = bufs[ring:2 * ring]
        gsem = bufs[2 * ring:3 * ring]
        wsem = bufs[3 * ring:4 * ring]
        wid = lax.axis_index("s") * NC + lax.axis_index("c")
        base = wid * b_per_w
        gathers = {}
        writes = {}
        for j in range(ring):
            pltpu.sync_copy(
                ids_hbm.at[pl.ds(base + j * GATHER_CHUNK, GATHER_CHUNK)],
                idx[j])
            gathers[j] = pltpu.async_copy(
                table_hbm.at[idx[j]], rows[j], gsem[j])
        for i in range(n_chunks):
            bslot = i % ring
            gathers[i].wait()
            writes[i] = pltpu.async_copy(
                rows[bslot],
                out_hbm.at[pl.ds(base + i * GATHER_CHUNK, GATHER_CHUNK)],
                wsem[bslot])
            j = i + ring
            if j < n_chunks:
                writes[i].wait()
                pltpu.sync_copy(
                    ids_hbm.at[pl.ds(base + j * GATHER_CHUNK, GATHER_CHUNK)],
                    idx[bslot])
                gathers[j] = pltpu.async_copy(
                    table_hbm.at[idx[bslot]], rows[bslot], gsem[bslot])
        for i in range(max(0, n_chunks - ring), n_chunks):
            writes[i].wait()

    return gather_kernel(ids, table)


def _ln_topk_body(x_ref, g_ref, b_ref, spikes_ref, xn_ref, *, k):
    x = x_ref[...]
    d = x.shape[1]
    mu = jnp.mean(x, axis=1, keepdims=True)
    msq = jnp.mean(x * x, axis=1, keepdims=True)
    var = msq - mu * mu
    rstd = lax.rsqrt(var + 1e-5)
    xn = (x - mu) * rstd * g_ref[...] + b_ref[...]
    xn_ref[...] = xn
    a = jnp.abs(xn)
    rows = x.shape[0]
    lo = jnp.zeros((rows, 1), jnp.float32)
    hi = jnp.full((rows, 1), float(np.sqrt(d / k)) * 1.001, jnp.float32)

    def step(_, carry):
        lo, hi = carry
        w3 = (hi - lo) * (1.0 / 3.0)
        t1 = lo + w3
        t2 = hi - w3
        cnt1 = jnp.sum(jnp.where(a >= t1, 1.0, 0.0), axis=1, keepdims=True)
        cnt2 = jnp.sum(jnp.where(a >= t2, 1.0, 0.0), axis=1, keepdims=True)
        ge1 = cnt1 >= k
        ge2 = cnt2 >= k
        lo = jnp.where(ge2, t2, jnp.where(ge1, t1, lo))
        hi = jnp.where(ge1, jnp.where(ge2, hi, t2), t1)
        return lo, hi

    lo, hi = lax.fori_loop(0, 12, step, (lo, hi))
    spikes_ref[...] = (a >= lo).astype(jnp.float32)


def _ln_topk(x, gamma, beta, block_rows=512, interpret=False):
    n, d = x.shape
    k = max(1, int(TOPK_DENSITY * d))
    g2 = gamma.reshape(1, d)
    b2 = beta.reshape(1, d)
    grid = n // block_rows
    return pl.pallas_call(
        functools.partial(_ln_topk_body, k=k),
        grid=(grid,),
        in_specs=[
            pl.BlockSpec((block_rows, d), lambda i: (i, 0)),
            pl.BlockSpec((1, d), lambda i: (0, 0)),
            pl.BlockSpec((1, d), lambda i: (0, 0)),
        ],
        out_specs=[
            pl.BlockSpec((block_rows, d), lambda i: (i, 0)),
            pl.BlockSpec((block_rows, d), lambda i: (i, 0)),
        ],
        out_shape=[
            jax.ShapeDtypeStruct((n, d), jnp.float32),
            jax.ShapeDtypeStruct((n, d), jnp.float32),
        ],
        compiler_params=pltpu.CompilerParams(
            dimension_semantics=("parallel",),
        ),
        interpret=interpret,
    )(x, g2, b2)


def kernel(token_ids, emb_table, gamma, beta):
    b, s = token_ids.shape
    v, d = emb_table.shape
    ids = token_ids.reshape(-1)
    x = _sc_gather(ids, emb_table)
    spikes, xn = _ln_topk(x, gamma, beta)
    return spikes.reshape(b, s, d), xn.reshape(b, s, d)

# --- scband reference (transcript-rebuilt; emitter-appended) ---
"""Pipeline reference for scband-spike-encoder-22127671509476 (READ-ONLY COPY).

The authoritative reference and input builder live on the scoring server;
editing this copy changes nothing except your own understanding.
"""

import jax, jax.numpy as jnp
import numpy as np

B, S, D, V = 2, 2048, 1536, 57344
TOPK_SPARSITY = 0.89

def setup_inputs(seed: int = 0) -> dict:
    key = jax.random.key(seed)
    k1, k2 = jax.random.split(key)
    token_ids = jax.random.randint(k1, (B, S), 0, V, dtype=jnp.int32)
    emb_table = jax.random.normal(k2, (V, D), dtype=jnp.float32) * 0.02
    gamma = jnp.ones((D,), dtype=jnp.float32)
    beta = jnp.zeros((D,), dtype=jnp.float32)
    return {"token_ids": token_ids, "emb_table": emb_table, "gamma": gamma, "beta": beta}

def reference(token_ids, emb_table, gamma, beta):
    # FrontendRouter: text embedding lookup
    x = jnp.take(emb_table, token_ids, axis=0)  # [B, S, D]
    # LayerNorm over last dim (eps = 1e-5, torch default)
    mu = jnp.mean(x, axis=-1, keepdims=True)
    var = jnp.var(x, axis=-1, keepdims=True)
    xn = (x - mu) / jnp.sqrt(var + 1e-5) * gamma + beta
    # top-k masking path (use_topk_mask=True, eval mode -> no surrogate STE branch)
    k = max(1, int((1.0 - TOPK_SPARSITY) * D))
    _, topk_idx = jax.lax.top_k(jnp.abs(xn), k)  # [B, S, k]
    b_idx = jnp.arange(B)[:, None, None]
    s_idx = jnp.arange(S)[None, :, None]
    spikes = jnp.zeros_like(xn).at[b_idx, s_idx, topk_idx].set(1.0)
    return (spikes, xn)

if __name__ == "__main__":
    import jax
    _d = setup_inputs()
    print(jax.jit(kernel)(*tuple(_d.values())))

</pallas_src>

<mosaic_0001>
#map = affine_map<(d0, d1) -> (0)>
#map1 = affine_map<(d0, d1) -> (0, 0)>
module attributes {stable_mosaic.version = 14 : i64} {
  func.func @gather_kernel(%arg0: i32, %arg1: i32, %arg2: memref<4096xi32, #tpu.memory_space<hbm>>, %arg3: memref<57344x1536xf32, #tpu.memory_space<hbm>>, %arg4: memref<4096x1536xf32, #tpu.memory_space<hbm>>, %arg5: memref<16xi32, #tpu.memory_space<vmem>>, %arg6: memref<16xi32, #tpu.memory_space<vmem>>, %arg7: memref<16xi32, #tpu.memory_space<vmem>>, %arg8: memref<16xi32, #tpu.memory_space<vmem>>, %arg9: memref<16x1536xf32, #tpu.memory_space<vmem>>, %arg10: memref<16x1536xf32, #tpu.memory_space<vmem>>, %arg11: memref<16x1536xf32, #tpu.memory_space<vmem>>, %arg12: memref<16x1536xf32, #tpu.memory_space<vmem>>, %arg13: memref<!tpu.dma_semaphore, #tpu.memory_space<semaphore_mem>>, %arg14: memref<!tpu.dma_semaphore, #tpu.memory_space<semaphore_mem>>, %arg15: memref<!tpu.dma_semaphore, #tpu.memory_space<semaphore_mem>>, %arg16: memref<!tpu.dma_semaphore, #tpu.memory_space<semaphore_mem>>, %arg17: memref<!tpu.dma_semaphore, #tpu.memory_space<semaphore_mem>>, %arg18: memref<!tpu.dma_semaphore, #tpu.memory_space<semaphore_mem>>, %arg19: memref<!tpu.dma_semaphore, #tpu.memory_space<semaphore_mem>>, %arg20: memref<!tpu.dma_semaphore, #tpu.memory_space<semaphore_mem>>) attributes {dimension_semantics = [#tpu.dimension_semantics<core_parallel>, #tpu.dimension_semantics<subcore_parallel>], iteration_bounds = array<i64: 2, 16>, scalar_prefetch = 0 : i64, scratch_operands = 16 : i64, tpu.core_type = #tpu.core_type<sc_vector_subcore>, window_params = [{transform_indices = #map}, {transform_indices = #map1}, {transform_indices = #map1}]} {
    %mul3A = arith.constant 2 : i32
    %mul3A_0 = arith.muli %arg1, %mul3A : i32
    %add3A = arith.addi %mul3A_0, %arg0 : i32
    %mul3A_1 = arith.constant 128 : i32
    %mul3A_2 = arith.muli %add3A, %mul3A_1 : i32
    %add3A_3 = arith.constant 0 : i32
    %add3A_4 = arith.addi %mul3A_2, %add3A_3 : i32
    "tpu.region"() ({
      %run_scoped3A = tpu.sem_alloc : memref<!tpu.dma_semaphore, #tpu.memory_space<semaphore_mem>>
      %dma_start3A_145 = tpu.memref_slice %arg2[%add3A_4] : memref<4096xi32, #tpu.memory_space<hbm>> -> memref<16xi32, #tpu.memory_space<hbm>>
      %dma_start3A_146 = tpu.memref_slice %arg2[%add3A_4] : memref<4096xi32, #tpu.memory_space<hbm>> -> memref<16xi32, #tpu.memory_space<hbm>>
      tpu.enqueue_dma source(%dma_start3A_146 : memref<16xi32, #tpu.memory_space<hbm>>) target(%arg5 : memref<16xi32, #tpu.memory_space<vmem>>) target_semaphore(%run_scoped3A : memref<!tpu.dma_semaphore, #tpu.memory_space<semaphore_mem>>)
      %dma_wait3A_147 = tpu.memref_slice %arg2[%add3A_4] : memref<4096xi32, #tpu.memory_space<hbm>> -> memref<16xi32, #tpu.memory_space<hbm>>
      %dma_wait3A_148 = tpu.memref_slice %arg2[%add3A_4] : memref<4096xi32, #tpu.memory_space<hbm>> -> memref<16xi32, #tpu.memory_space<hbm>>
      tpu.wait_dma2 semaphore(%run_scoped3A : memref<!tpu.dma_semaphore, #tpu.memory_space<semaphore_mem>>) src(%dma_wait3A_148 : memref<16xi32, #tpu.memory_space<hbm>>) dst(%arg5 : memref<16xi32, #tpu.memory_space<vmem>>)
      tpu.yield
    }) : () -> ()
    %dma_start3A = arith.constant 0 : i32
    %dma_start3A_5 = arith.constant 0 : i32
    %dma_start3A_6 = tpu.memref_slice %arg3[%dma_start3A, %dma_start3A_5] : memref<57344x1536xf32, #tpu.memory_space<hbm>> -> memref<57344x1536xf32, #tpu.memory_space<hbm>>
    tpu.enqueue_indirect_dma source(%dma_start3A_6 : memref<57344x1536xf32, #tpu.memory_space<hbm>>) target(%arg9 : memref<16x1536xf32, #tpu.memory_space<vmem>>) offsets(%arg5 : memref<16xi32, #tpu.memory_space<vmem>>) semaphore(%arg13 : memref<!tpu.dma_semaphore, #tpu.memory_space<semaphore_mem>>)
    %add3A_7 = arith.constant 16 : i32
    %add3A_8 = arith.addi %mul3A_2, %add3A_7 : i32
    "tpu.region"() ({
      %run_scoped3A = tpu.sem_alloc : memref<!tpu.dma_semaphore, #tpu.memory_space<semaphore_mem>>
      %dma_start3A_145 = tpu.memref_slice %arg2[%add3A_8] : memref<4096xi32, #tpu.memory_space<hbm>> -> memref<16xi32, #tpu.memory_space<hbm>>
      %dma_start3A_146 = tpu.memref_slice %arg2[%add3A_8] : memref<4096xi32, #tpu.memory_space<hbm>> -> memref<16xi32, #tpu.memory_space<hbm>>
      tpu.enqueue_dma source(%dma_start3A_146 : memref<16xi32, #tpu.memory_space<hbm>>) target(%arg6 : memref<16xi32, #tpu.memory_space<vmem>>) target_semaphore(%run_scoped3A : memref<!tpu.dma_semaphore, #tpu.memory_space<semaphore_mem>>)
      %dma_wait3A_147 = tpu.memref_slice %arg2[%add3A_8] : memref<4096xi32, #tpu.memory_space<hbm>> -> memref<16xi32, #tpu.memory_space<hbm>>
      %dma_wait3A_148 = tpu.memref_slice %arg2[%add3A_8] : memref<4096xi32, #tpu.memory_space<hbm>> -> memref<16xi32, #tpu.memory_space<hbm>>
      tpu.wait_dma2 semaphore(%run_scoped3A : memref<!tpu.dma_semaphore, #tpu.memory_space<semaphore_mem>>) src(%dma_wait3A_148 : memref<16xi32, #tpu.memory_space<hbm>>) dst(%arg6 : memref<16xi32, #tpu.memory_space<vmem>>)
      tpu.yield
    }) : () -> ()
    %dma_start3A_9 = arith.constant 0 : i32
    %dma_start3A_10 = arith.constant 0 : i32
    %dma_start3A_11 = tpu.memref_slice %arg3[%dma_start3A_9, %dma_start3A_10] : memref<57344x1536xf32, #tpu.memory_space<hbm>> -> memref<57344x1536xf32, #tpu.memory_space<hbm>>
    tpu.enqueue_indirect_dma source(%dma_start3A_11 : memref<57344x1536xf32, #tpu.memory_space<hbm>>) target(%arg10 : memref<16x1536xf32, #tpu.memory_space<vmem>>) offsets(%arg6 : memref<16xi32, #tpu.memory_space<vmem>>) semaphore(%arg14 : memref<!tpu.dma_semaphore, #tpu.memory_space<semaphore_mem>>)
    %add3A_12 = arith.constant 32 : i32
    %add3A_13 = arith.addi %mul3A_2, %add3A_12 : i32
    "tpu.region"() ({
      %run_scoped3A = tpu.sem_alloc : memref<!tpu.dma_semaphore, #tpu.memory_space<semaphore_mem>>
      %dma_start3A_145 = tpu.memref_slice %arg2[%add3A_13] : memref<4096xi32, #tpu.memory_space<hbm>> -> memref<16xi32, #tpu.memory_space<hbm>>
      %dma_start3A_146 = tpu.memref_slice %arg2[%add3A_13] : memref<4096xi32, #tpu.memory_space<hbm>> -> memref<16xi32, #tpu.memory_space<hbm>>
      tpu.enqueue_dma source(%dma_start3A_146 : memref<16xi32, #tpu.memory_space<hbm>>) target(%arg7 : memref<16xi32, #tpu.memory_space<vmem>>) target_semaphore(%run_scoped3A : memref<!tpu.dma_semaphore, #tpu.memory_space<semaphore_mem>>)
      %dma_wait3A_147 = tpu.memref_slice %arg2[%add3A_13] : memref<4096xi32, #tpu.memory_space<hbm>> -> memref<16xi32, #tpu.memory_space<hbm>>
      %dma_wait3A_148 = tpu.memref_slice %arg2[%add3A_13] : memref<4096xi32, #tpu.memory_space<hbm>> -> memref<16xi32, #tpu.memory_space<hbm>>
      tpu.wait_dma2 semaphore(%run_scoped3A : memref<!tpu.dma_semaphore, #tpu.memory_space<semaphore_mem>>) src(%dma_wait3A_148 : memref<16xi32, #tpu.memory_space<hbm>>) dst(%arg7 : memref<16xi32, #tpu.memory_space<vmem>>)
      tpu.yield
    }) : () -> ()
    %dma_start3A_14 = arith.constant 0 : i32
    %dma_start3A_15 = arith.constant 0 : i32
    %dma_start3A_16 = tpu.memref_slice %arg3[%dma_start3A_14, %dma_start3A_15] : memref<57344x1536xf32, #tpu.memory_space<hbm>> -> memref<57344x1536xf32, #tpu.memory_space<hbm>>
    tpu.enqueue_indirect_dma source(%dma_start3A_16 : memref<57344x1536xf32, #tpu.memory_space<hbm>>) target(%arg11 : memref<16x1536xf32, #tpu.memory_space<vmem>>) offsets(%arg7 : memref<16xi32, #tpu.memory_space<vmem>>) semaphore(%arg15 : memref<!tpu.dma_semaphore, #tpu.memory_space<semaphore_mem>>)
    %add3A_17 = arith.constant 48 : i32
    %add3A_18 = arith.addi %mul3A_2, %add3A_17 : i32
    "tpu.region"() ({
      %run_scoped3A = tpu.sem_alloc : memref<!tpu.dma_semaphore, #tpu.memory_space<semaphore_mem>>
      %dma_start3A_145 = tpu.memref_slice %arg2[%add3A_18] : memref<4096xi32, #tpu.memory_space<hbm>> -> memref<16xi32, #tpu.memory_space<hbm>>
      %dma_start3A_146 = tpu.memref_slice %arg2[%add3A_18] : memref<4096xi32, #tpu.memory_space<hbm>> -> memref<16xi32, #tpu.memory_space<hbm>>
      tpu.enqueue_dma source(%dma_start3A_146 : memref<16xi32, #tpu.memory_space<hbm>>) target(%arg8 : memref<16xi32, #tpu.memory_space<vmem>>) target_semaphore(%run_scoped3A : memref<!tpu.dma_semaphore, #tpu.memory_space<semaphore_mem>>)
      %dma_wait3A_147 = tpu.memref_slice %arg2[%add3A_18] : memref<4096xi32, #tpu.memory_space<hbm>> -> memref<16xi32, #tpu.memory_space<hbm>>
      %dma_wait3A_148 = tpu.memref_slice %arg2[%add3A_18] : memref<4096xi32, #tpu.memory_space<hbm>> -> memref<16xi32, #tpu.memory_space<hbm>>
      tpu.wait_dma2 semaphore(%run_scoped3A : memref<!tpu.dma_semaphore, #tpu.memory_space<semaphore_mem>>) src(%dma_wait3A_148 : memref<16xi32, #tpu.memory_space<hbm>>) dst(%arg8 : memref<16xi32, #tpu.memory_space<vmem>>)
      tpu.yield
    }) : () -> ()
    %dma_start3A_19 = arith.constant 0 : i32
    %dma_start3A_20 = arith.constant 0 : i32
    %dma_start3A_21 = tpu.memref_slice %arg3[%dma_start3A_19, %dma_start3A_20] : memref<57344x1536xf32, #tpu.memory_space<hbm>> -> memref<57344x1536xf32, #tpu.memory_space<hbm>>
    tpu.enqueue_indirect_dma source(%dma_start3A_21 : memref<57344x1536xf32, #tpu.memory_space<hbm>>) target(%arg12 : memref<16x1536xf32, #tpu.memory_space<vmem>>) offsets(%arg8 : memref<16xi32, #tpu.memory_space<vmem>>) semaphore(%arg16 : memref<!tpu.dma_semaphore, #tpu.memory_space<semaphore_mem>>)
    %dma_wait3A = arith.constant 0 : i32
    %dma_wait3A_22 = arith.constant 0 : i32
    %dma_wait3A_23 = tpu.memref_slice %arg3[%dma_wait3A, %dma_wait3A_22] : memref<57344x1536xf32, #tpu.memory_space<hbm>> -> memref<57344x1536xf32, #tpu.memory_space<hbm>>
    tpu.wait_indirect_dma semaphore(%arg13 : memref<!tpu.dma_semaphore, #tpu.memory_space<semaphore_mem>>) src(%dma_wait3A_23 : memref<57344x1536xf32, #tpu.memory_space<hbm>>) dst(%arg9 : memref<16x1536xf32, #tpu.memory_space<vmem>>)
    %add3A_24 = arith.constant 0 : i32
    %add3A_25 = arith.addi %mul3A_2, %add3A_24 : i32
    %dma_start3A_26 = arith.constant 0 : i32
    %dma_start3A_27 = tpu.memref_slice %arg4[%add3A_25, %dma_start3A_26] : memref<4096x1536xf32, #tpu.memory_space<hbm>> -> memref<16x1536xf32, #tpu.memory_space<hbm>>
    %dma_start3A_28 = arith.constant 0 : i32
    %dma_start3A_29 = tpu.memref_slice %arg4[%add3A_25, %dma_start3A_28] : memref<4096x1536xf32, #tpu.memory_space<hbm>> -> memref<16x1536xf32, #tpu.memory_space<hbm>>
    tpu.enqueue_dma source(%arg9 : memref<16x1536xf32, #tpu.memory_space<vmem>>) target(%dma_start3A_29 : memref<16x1536xf32, #tpu.memory_space<hbm>>) target_semaphore(%arg17 : memref<!tpu.dma_semaphore, #tpu.memory_space<semaphore_mem>>)
    %dma_wait3A_30 = arith.constant 0 : i32
    %dma_wait3A_31 = tpu.memref_slice %arg4[%add3A_25, %dma_wait3A_30] : memref<4096x1536xf32, #tpu.memory_space<hbm>> -> memref<16x1536xf32, #tpu.memory_space<hbm>>
    %dma_wait3A_32 = arith.constant 0 : i32
    %dma_wait3A_33 = tpu.memref_slice %arg4[%add3A_25, %dma_wait3A_32] : memref<4096x1536xf32, #tpu.memory_space<hbm>> -> memref<16x1536xf32, #tpu.memory_space<hbm>>
    tpu.wait_dma2 semaphore(%arg17 : memref<!tpu.dma_semaphore, #tpu.memory_space<semaphore_mem>>) src(%arg9 : memref<16x1536xf32, #tpu.memory_space<vmem>>) dst(%dma_wait3A_33 : memref<16x1536xf32, #tpu.memory_space<hbm>>)
    %add3A_34 = arith.constant 64 : i32
    %add3A_35 = arith.addi %mul3A_2, %add3A_34 : i32
    "tpu.region"() ({
      %run_scoped3A = tpu.sem_alloc : memref<!tpu.dma_semaphore, #tpu.memory_space<semaphore_mem>>
      %dma_start3A_145 = tpu.memref_slice %arg2[%add3A_35] : memref<4096xi32, #tpu.memory_space<hbm>> -> memref<16xi32, #tpu.memory_space<hbm>>
      %dma_start3A_146 = tpu.memref_slice %arg2[%add3A_35] : memref<4096xi32, #tpu.memory_space<hbm>> -> memref<16xi32, #tpu.memory_space<hbm>>
      tpu.enqueue_dma source(%dma_start3A_146 : memref<16xi32, #tpu.memory_space<hbm>>) target(%arg5 : memref<16xi32, #tpu.memory_space<vmem>>) target_semaphore(%run_scoped3A : memref<!tpu.dma_semaphore, #tpu.memory_space<semaphore_mem>>)
      %dma_wait3A_147 = tpu.memref_slice %arg2[%add3A_35] : memref<4096xi32, #tpu.memory_space<hbm>> -> memref<16xi32, #tpu.memory_space<hbm>>
      %dma_wait3A_148 = tpu.memref_slice %arg2[%add3A_35] : memref<4096xi32, #tpu.memory_space<hbm>> -> memref<16xi32, #tpu.memory_space<hbm>>
      tpu.wait_dma2 semaphore(%run_scoped3A : memref<!tpu.dma_semaphore, #tpu.memory_space<semaphore_mem>>) src(%dma_wait3A_148 : memref<16xi32, #tpu.memory_space<hbm>>) dst(%arg5 : memref<16xi32, #tpu.memory_space<vmem>>)
      tpu.yield
    }) : () -> ()
    %dma_start3A_36 = arith.constant 0 : i32
    %dma_start3A_37 = arith.constant 0 : i32
    %dma_start3A_38 = tpu.memref_slice %arg3[%dma_start3A_36, %dma_start3A_37] : memref<57344x1536xf32, #tpu.memory_space<hbm>> -> memref<57344x1536xf32, #tpu.memory_space<hbm>>
    tpu.enqueue_indirect_dma source(%dma_start3A_38 : memref<57344x1536xf32, #tpu.memory_space<hbm>>) target(%arg9 : memref<16x1536xf32, #tpu.memory_space<vmem>>) offsets(%arg5 : memref<16xi32, #tpu.memory_space<vmem>>) semaphore(%arg13 : memref<!tpu.dma_semaphore, #tpu.memory_space<semaphore_mem>>)
    %dma_wait3A_39 = arith.constant 0 : i32
    %dma_wait3A_40 = arith.constant 0 : i32
    %dma_wait3A_41 = tpu.memref_slice %arg3[%dma_wait3A_39, %dma_wait3A_40] : memref<57344x1536xf32, #tpu.memory_space<hbm>> -> memref<57344x1536xf32, #tpu.memory_space<hbm>>
    tpu.wait_indirect_dma semaphore(%arg14 : memref<!tpu.dma_semaphore, #tpu.memory_space<semaphore_mem>>) src(%dma_wait3A_41 : memref<57344x1536xf32, #tpu.memory_space<hbm>>) dst(%arg10 : memref<16x1536xf32, #tpu.memory_space<vmem>>)
    %add3A_42 = arith.constant 16 : i32
    %add3A_43 = arith.addi %mul3A_2, %add3A_42 : i32
    %dma_start3A_44 = arith.constant 0 : i32
    %dma_start3A_45 = tpu.memref_slice %arg4[%add3A_43, %dma_start3A_44] : memref<4096x1536xf32, #tpu.memory_space<hbm>> -> memref<16x1536xf32, #tpu.memory_space<hbm>>
    %dma_start3A_46 = arith.constant 0 : i32
    %dma_start3A_47 = tpu.memref_slice %arg4[%add3A_43, %dma_start3A_46] : memref<4096x1536xf32, #tpu.memory_space<hbm>> -> memref<16x1536xf32, #tpu.memory_space<hbm>>
    tpu.enqueue_dma source(%arg10 : memref<16x1536xf32, #tpu.memory_space<vmem>>) target(%dma_start3A_47 : memref<16x1536xf32, #tpu.memory_space<hbm>>) target_semaphore(%arg18 : memref<!tpu.dma_semaphore, #tpu.memory_space<semaphore_mem>>)
    %dma_wait3A_48 = arith.constant 0 : i32
    %dma_wait3A_49 = tpu.memref_slice %arg4[%add3A_43, %dma_wait3A_48] : memref<4096x1536xf32, #tpu.memory_space<hbm>> -> memref<16x1536xf32, #tpu.memory_space<hbm>>
    %dma_wait3A_50 = arith.constant 0 : i32
    %dma_wait3A_51 = tpu.memref_slice %arg4[%add3A_43, %dma_wait3A_50] : memref<4096x1536xf32, #tpu.memory_space<hbm>> -> memref<16x1536xf32, #tpu.memory_space<hbm>>
    tpu.wait_dma2 semaphore(%arg18 : memref<!tpu.dma_semaphore, #tpu.memory_space<semaphore_mem>>) src(%arg10 : memref<16x1536xf32, #tpu.memory_space<vmem>>) dst(%dma_wait3A_51 : memref<16x1536xf32, #tpu.memory_space<hbm>>)
    %add3A_52 = arith.constant 80 : i32
    %add3A_53 = arith.addi %mul3A_2, %add3A_52 : i32
    "tpu.region"() ({
      %run_scoped3A = tpu.sem_alloc : memref<!tpu.dma_semaphore, #tpu.memory_space<semaphore_mem>>
      %dma_start3A_145 = tpu.memref_slice %arg2[%add3A_53] : memref<4096xi32, #tpu.memory_space<hbm>> -> memref<16xi32, #tpu.memory_space<hbm>>
      %dma_start3A_146 = tpu.memref_slice %arg2[%add3A_53] : memref<4096xi32, #tpu.memory_space<hbm>> -> memref<16xi32, #tpu.memory_space<hbm>>
      tpu.enqueue_dma source(%dma_start3A_146 : memref<16xi32, #tpu.memory_space<hbm>>) target(%arg6 : memref<16xi32, #tpu.memory_space<vmem>>) target_semaphore(%run_scoped3A : memref<!tpu.dma_semaphore, #tpu.memory_space<semaphore_mem>>)
      %dma_wait3A_147 = tpu.memref_slice %arg2[%add3A_53] : memref<4096xi32, #tpu.memory_space<hbm>> -> memref<16xi32, #tpu.memory_space<hbm>>
      %dma_wait3A_148 = tpu.memref_slice %arg2[%add3A_53] : memref<4096xi32, #tpu.memory_space<hbm>> -> memref<16xi32, #tpu.memory_space<hbm>>
      tpu.wait_dma2 semaphore(%run_scoped3A : memref<!tpu.dma_semaphore, #tpu.memory_space<semaphore_mem>>) src(%dma_wait3A_148 : memref<16xi32, #tpu.memory_space<hbm>>) dst(%arg6 : memref<16xi32, #tpu.memory_space<vmem>>)
      tpu.yield
    }) : () -> ()
    %dma_start3A_54 = arith.constant 0 : i32
    %dma_start3A_55 = arith.constant 0 : i32
    %dma_start3A_56 = tpu.memref_slice %arg3[%dma_start3A_54, %dma_start3A_55] : memref<57344x1536xf32, #tpu.memory_space<hbm>> -> memref<57344x1536xf32, #tpu.memory_space<hbm>>
    tpu.enqueue_indirect_dma source(%dma_start3A_56 : memref<57344x1536xf32, #tpu.memory_space<hbm>>) target(%arg10 : memref<16x1536xf32, #tpu.memory_space<vmem>>) offsets(%arg6 : memref<16xi32, #tpu.memory_space<vmem>>) semaphore(%arg14 : memref<!tpu.dma_semaphore, #tpu.memory_space<semaphore_mem>>)
    %dma_wait3A_57 = arith.constant 0 : i32
    %dma_wait3A_58 = arith.constant 0 : i32
    %dma_wait3A_59 = tpu.memref_slice %arg3[%dma_wait3A_57, %dma_wait3A_58] : memref<57344x1536xf32, #tpu.memory_space<hbm>> -> memref<57344x1536xf32, #tpu.memory_space<hbm>>
    tpu.wait_indirect_dma semaphore(%arg15 : memref<!tpu.dma_semaphore, #tpu.memory_space<semaphore_mem>>) src(%dma_wait3A_59 : memref<57344x1536xf32, #tpu.memory_space<hbm>>) dst(%arg11 : memref<16x1536xf32, #tpu.memory_space<vmem>>)
    %add3A_60 = arith.constant 32 : i32
    %add3A_61 = arith.addi %mul3A_2, %add3A_60 : i32
    %dma_start3A_62 = arith.constant 0 : i32
    %dma_start3A_63 = tpu.memref_slice %arg4[%add3A_61, %dma_start3A_62] : memref<4096x1536xf32, #tpu.memory_space<hbm>> -> memref<16x1536xf32, #tpu.memory_space<hbm>>
    %dma_start3A_64 = arith.constant 0 : i32
    %dma_start3A_65 = tpu.memref_slice %arg4[%add3A_61, %dma_start3A_64] : memref<4096x1536xf32, #tpu.memory_space<hbm>> -> memref<16x1536xf32, #tpu.memory_space<hbm>>
    tpu.enqueue_dma source(%arg11 : memref<16x1536xf32, #tpu.memory_space<vmem>>) target(%dma_start3A_65 : memref<16x1536xf32, #tpu.memory_space<hbm>>) target_semaphore(%arg19 : memref<!tpu.dma_semaphore, #tpu.memory_space<semaphore_mem>>)
    %dma_wait3A_66 = arith.constant 0 : i32
    %dma_wait3A_67 = tpu.memref_slice %arg4[%add3A_61, %dma_wait3A_66] : memref<4096x1536xf32, #tpu.memory_space<hbm>> -> memref<16x1536xf32, #tpu.memory_space<hbm>>
    %dma_wait3A_68 = arith.constant 0 : i32
    %dma_wait3A_69 = tpu.memref_slice %arg4[%add3A_61, %dma_wait3A_68] : memref<4096x1536xf32, #tpu.memory_space<hbm>> -> memref<16x1536xf32, #tpu.memory_space<hbm>>
    tpu.wait_dma2 semaphore(%arg19 : memref<!tpu.dma_semaphore, #tpu.memory_space<semaphore_mem>>) src(%arg11 : memref<16x1536xf32, #tpu.memory_space<vmem>>) dst(%dma_wait3A_69 : memref<16x1536xf32, #tpu.memory_space<hbm>>)
    %add3A_70 = arith.constant 96 : i32
    %add3A_71 = arith.addi %mul3A_2, %add3A_70 : i32
    "tpu.region"() ({
      %run_scoped3A = tpu.sem_alloc : memref<!tpu.dma_semaphore, #tpu.memory_space<semaphore_mem>>
      %dma_start3A_145 = tpu.memref_slice %arg2[%add3A_71] : memref<4096xi32, #tpu.memory_space<hbm>> -> memref<16xi32, #tpu.memory_space<hbm>>
      %dma_start3A_146 = tpu.memref_slice %arg2[%add3A_71] : memref<4096xi32, #tpu.memory_space<hbm>> -> memref<16xi32, #tpu.memory_space<hbm>>
      tpu.enqueue_dma source(%dma_start3A_146 : memref<16xi32, #tpu.memory_space<hbm>>) target(%arg7 : memref<16xi32, #tpu.memory_space<vmem>>) target_semaphore(%run_scoped3A : memref<!tpu.dma_semaphore, #tpu.memory_space<semaphore_mem>>)
      %dma_wait3A_147 = tpu.memref_slice %arg2[%add3A_71] : memref<4096xi32, #tpu.memory_space<hbm>> -> memref<16xi32, #tpu.memory_space<hbm>>
      %dma_wait3A_148 = tpu.memref_slice %arg2[%add3A_71] : memref<4096xi32, #tpu.memory_space<hbm>> -> memref<16xi32, #tpu.memory_space<hbm>>
      tpu.wait_dma2 semaphore(%run_scoped3A : memref<!tpu.dma_semaphore, #tpu.memory_space<semaphore_mem>>) src(%dma_wait3A_148 : memref<16xi32, #tpu.memory_space<hbm>>) dst(%arg7 : memref<16xi32, #tpu.memory_space<vmem>>)
      tpu.yield
    }) : () -> ()
    %dma_start3A_72 = arith.constant 0 : i32
    %dma_start3A_73 = arith.constant 0 : i32
    %dma_start3A_74 = tpu.memref_slice %arg3[%dma_start3A_72, %dma_start3A_73] : memref<57344x1536xf32, #tpu.memory_space<hbm>> -> memref<57344x1536xf32, #tpu.memory_space<hbm>>
    tpu.enqueue_indirect_dma source(%dma_start3A_74 : memref<57344x1536xf32, #tpu.memory_space<hbm>>) target(%arg11 : memref<16x1536xf32, #tpu.memory_space<vmem>>) offsets(%arg7 : memref<16xi32, #tpu.memory_space<vmem>>) semaphore(%arg15 : memref<!tpu.dma_semaphore, #tpu.memory_space<semaphore_mem>>)
    %dma_wait3A_75 = arith.constant 0 : i32
    %dma_wait3A_76 = arith.constant 0 : i32
    %dma_wait3A_77 = tpu.memref_slice %arg3[%dma_wait3A_75, %dma_wait3A_76] : memref<57344x1536xf32, #tpu.memory_space<hbm>> -> memref<57344x1536xf32, #tpu.memory_space<hbm>>
    tpu.wait_indirect_dma semaphore(%arg16 : memref<!tpu.dma_semaphore, #tpu.memory_space<semaphore_mem>>) src(%dma_wait3A_77 : memref<57344x1536xf32, #tpu.memory_space<hbm>>) dst(%arg12 : memref<16x1536xf32, #tpu.memory_space<vmem>>)
    %add3A_78 = arith.constant 48 : i32
    %add3A_79 = arith.addi %mul3A_2, %add3A_78 : i32
    %dma_start3A_80 = arith.constant 0 : i32
    %dma_start3A_81 = tpu.memref_slice %arg4[%add3A_79, %dma_start3A_80] : memref<4096x1536xf32, #tpu.memory_space<hbm>> -> memref<16x1536xf32, #tpu.memory_space<hbm>>
    %dma_start3A_82 = arith.constant 0 : i32
    %dma_start3A_83 = tpu.memref_slice %arg4[%add3A_79, %dma_start3A_82] : memref<4096x1536xf32, #tpu.memory_space<hbm>> -> memref<16x1536xf32, #tpu.memory_space<hbm>>
    tpu.enqueue_dma source(%arg12 : memref<16x1536xf32, #tpu.memory_space<vmem>>) target(%dma_start3A_83 : memref<16x1536xf32, #tpu.memory_space<hbm>>) target_semaphore(%arg20 : memref<!tpu.dma_semaphore, #tpu.memory_space<semaphore_mem>>)
    %dma_wait3A_84 = arith.constant 0 : i32
    %dma_wait3A_85 = tpu.memref_slice %arg4[%add3A_79, %dma_wait3A_84] : memref<4096x1536xf32, #tpu.memory_space<hbm>> -> memref<16x1536xf32, #tpu.memory_space<hbm>>
    %dma_wait3A_86 = arith.constant 0 : i32
    %dma_wait3A_87 = tpu.memref_slice %arg4[%add3A_79, %dma_wait3A_86] : memref<4096x1536xf32, #tpu.memory_space<hbm>> -> memref<16x1536xf32, #tpu.memory_space<hbm>>
    tpu.wait_dma2 semaphore(%arg20 : memref<!tpu.dma_semaphore, #tpu.memory_space<semaphore_mem>>) src(%arg12 : memref<16x1536xf32, #tpu.memory_space<vmem>>) dst(%dma_wait3A_87 : memref<16x1536xf32, #tpu.memory_space<hbm>>)
    %add3A_88 = arith.constant 112 : i32
    %add3A_89 = arith.addi %mul3A_2, %add3A_88 : i32
    "tpu.region"() ({
      %run_scoped3A = tpu.sem_alloc : memref<!tpu.dma_semaphore, #tpu.memory_space<semaphore_mem>>
      %dma_start3A_145 = tpu.memref_slice %arg2[%add3A_89] : memref<4096xi32, #tpu.memory_space<hbm>> -> memref<16xi32, #tpu.memory_space<hbm>>
      %dma_start3A_146 = tpu.memref_slice %arg2[%add3A_89] : memref<4096xi32, #tpu.memory_space<hbm>> -> memref<16xi32, #tpu.memory_space<hbm>>
      tpu.enqueue_dma source(%dma_start3A_146 : memref<16xi32, #tpu.memory_space<hbm>>) target(%arg8 : memref<16xi32, #tpu.memory_space<vmem>>) target_semaphore(%run_scoped3A : memref<!tpu.dma_semaphore, #tpu.memory_space<semaphore_mem>>)
      %dma_wait3A_147 = tpu.memref_slice %arg2[%add3A_89] : memref<4096xi32, #tpu.memory_space<hbm>> -> memref<16xi32, #tpu.memory_space<hbm>>
      %dma_wait3A_148 = tpu.memref_slice %arg2[%add3A_89] : memref<4096xi32, #tpu.memory_space<hbm>> -> memref<16xi32, #tpu.memory_space<hbm>>
      tpu.wait_dma2 semaphore(%run_scoped3A : memref<!tpu.dma_semaphore, #tpu.memory_space<semaphore_mem>>) src(%dma_wait3A_148 : memref<16xi32, #tpu.memory_space<hbm>>) dst(%arg8 : memref<16xi32, #tpu.memory_space<vmem>>)
      tpu.yield
    }) : () -> ()
    %dma_start3A_90 = arith.constant 0 : i32
    %dma_start3A_91 = arith.constant 0 : i32
    %dma_start3A_92 = tpu.memref_slice %arg3[%dma_start3A_90, %dma_start3A_91] : memref<57344x1536xf32, #tpu.memory_space<hbm>> -> memref<57344x1536xf32, #tpu.memory_space<hbm>>
    tpu.enqueue_indirect_dma source(%dma_start3A_92 : memref<57344x1536xf32, #tpu.memory_space<hbm>>) target(%arg12 : memref<16x1536xf32, #tpu.memory_space<vmem>>) offsets(%arg8 : memref<16xi32, #tpu.memory_space<vmem>>) semaphore(%arg16 : memref<!tpu.dma_semaphore, #tpu.memory_space<semaphore_mem>>)
    %dma_wait3A_93 = arith.constant 0 : i32
    %dma_wait3A_94 = arith.constant 0 : i32
    %dma_wait3A_95 = tpu.memref_slice %arg3[%dma_wait3A_93, %dma_wait3A_94] : memref<57344x1536xf32, #tpu.memory_space<hbm>> -> memref<57344x1536xf32, #tpu.memory_space<hbm>>
    tpu.wait_indirect_dma semaphore(%arg13 : memref<!tpu.dma_semaphore, #tpu.memory_space<semaphore_mem>>) src(%dma_wait3A_95 : memref<57344x1536xf32, #tpu.memory_space<hbm>>) dst(%arg9 : memref<16x1536xf32, #tpu.memory_space<vmem>>)
    %add3A_96 = arith.constant 64 : i32
    %add3A_97 = arith.addi %mul3A_2, %add3A_96 : i32
    %dma_start3A_98 = arith.constant 0 : i32
    %dma_start3A_99 = tpu.memref_slice %arg4[%add3A_97, %dma_start3A_98] : memref<4096x1536xf32, #tpu.memory_space<hbm>> -> memref<16x1536xf32, #tpu.memory_space<hbm>>
    %dma_start3A_100 = arith.constant 0 : i32
    %dma_start3A_101 = tpu.memref_slice %arg4[%add3A_97, %dma_start3A_100] : memref<4096x1536xf32, #tpu.memory_space<hbm>> -> memref<16x1536xf32, #tpu.memory_space<hbm>>
    tpu.enqueue_dma source(%arg9 : memref<16x1536xf32, #tpu.memory_space<vmem>>) target(%dma_start3A_101 : memref<16x1536xf32, #tpu.memory_space<hbm>>) target_semaphore(%arg17 : memref<!tpu.dma_semaphore, #tpu.memory_space<semaphore_mem>>)
    %dma_wait3A_102 = arith.constant 0 : i32
    %dma_wait3A_103 = arith.constant 0 : i32
    %dma_wait3A_104 = tpu.memref_slice %arg3[%dma_wait3A_102, %dma_wait3A_103] : memref<57344x1536xf32, #tpu.memory_space<hbm>> -> memref<57344x1536xf32, #tpu.memory_space<hbm>>
    tpu.wait_indirect_dma semaphore(%arg14 : memref<!tpu.dma_semaphore, #tpu.memory_space<semaphore_mem>>) src(%dma_wait3A_104 : memref<57344x1536xf32, #tpu.memory_space<hbm>>) dst(%arg10 : memref<16x1536xf32, #tpu.memory_space<vmem>>)
    %add3A_105 = arith.constant 80 : i32
    %add3A_106 = arith.addi %mul3A_2, %add3A_105 : i32
    %dma_start3A_107 = arith.constant 0 : i32
    %dma_start3A_108 = tpu.memref_slice %arg4[%add3A_106, %dma_start3A_107] : memref<4096x1536xf32, #tpu.memory_space<hbm>> -> memref<16x1536xf32, #tpu.memory_space<hbm>>
    %dma_start3A_109 = arith.constant 0 : i32
    %dma_start3A_110 = tpu.memref_slice %arg4[%add3A_106, %dma_start3A_109] : memref<4096x1536xf32, #tpu.memory_space<hbm>> -> memref<16x1536xf32, #tpu.memory_space<hbm>>
    tpu.enqueue_dma source(%arg10 : memref<16x1536xf32, #tpu.memory_space<vmem>>) target(%dma_start3A_110 : memref<16x1536xf32, #tpu.memory_space<hbm>>) target_semaphore(%arg18 : memref<!tpu.dma_semaphore, #tpu.memory_space<semaphore_mem>>)
    %dma_wait3A_111 = arith.constant 0 : i32
    %dma_wait3A_112 = arith.constant 0 : i32
    %dma_wait3A_113 = tpu.memref_slice %arg3[%dma_wait3A_111, %dma_wait3A_112] : memref<57344x1536xf32, #tpu.memory_space<hbm>> -> memref<57344x1536xf32, #tpu.memory_space<hbm>>
    tpu.wait_indirect_dma semaphore(%arg15 : memref<!tpu.dma_semaphore, #tpu.memory_space<semaphore_mem>>) src(%dma_wait3A_113 : memref<57344x1536xf32, #tpu.memory_space<hbm>>) dst(%arg11 : memref<16x1536xf32, #tpu.memory_space<vmem>>)
    %add3A_114 = arith.constant 96 : i32
    %add3A_115 = arith.addi %mul3A_2, %add3A_114 : i32
    %dma_start3A_116 = arith.constant 0 : i32
    %dma_start3A_117 = tpu.memref_slice %arg4[%add3A_115, %dma_start3A_116] : memref<4096x1536xf32, #tpu.memory_space<hbm>> -> memref<16x1536xf32, #tpu.memory_space<hbm>>
    %dma_start3A_118 = arith.constant 0 : i32
    %dma_start3A_119 = tpu.memref_slice %arg4[%add3A_115, %dma_start3A_118] : memref<4096x1536xf32, #tpu.memory_space<hbm>> -> memref<16x1536xf32, #tpu.memory_space<hbm>>
    tpu.enqueue_dma source(%arg11 : memref<16x1536xf32, #tpu.memory_space<vmem>>) target(%dma_start3A_119 : memref<16x1536xf32, #tpu.memory_space<hbm>>) target_semaphore(%arg19 : memref<!tpu.dma_semaphore, #tpu.memory_space<semaphore_mem>>)
    %dma_wait3A_120 = arith.constant 0 : i32
    %dma_wait3A_121 = arith.constant 0 : i32
    %dma_wait3A_122 = tpu.memref_slice %arg3[%dma_wait3A_120, %dma_wait3A_121] : memref<57344x1536xf32, #tpu.memory_space<hbm>> -> memref<57344x1536xf32, #tpu.memory_space<hbm>>
    tpu.wait_indirect_dma semaphore(%arg16 : memref<!tpu.dma_semaphore, #tpu.memory_space<semaphore_mem>>) src(%dma_wait3A_122 : memref<57344x1536xf32, #tpu.memory_space<hbm>>) dst(%arg12 : memref<16x1536xf32, #tpu.memory_space<vmem>>)
    %add3A_123 = arith.constant 112 : i32
    %add3A_124 = arith.addi %mul3A_2, %add3A_123 : i32
    %dma_start3A_125 = arith.constant 0 : i32
    %dma_start3A_126 = tpu.memref_slice %arg4[%add3A_124, %dma_start3A_125] : memref<4096x1536xf32, #tpu.memory_space<hbm>> -> memref<16x1536xf32, #tpu.memory_space<hbm>>
    %dma_start3A_127 = arith.constant 0 : i32
    %dma_start3A_128 = tpu.memref_slice %arg4[%add3A_124, %dma_start3A_127] : memref<4096x1536xf32, #tpu.memory_space<hbm>> -> memref<16x1536xf32, #tpu.memory_space<hbm>>
    tpu.enqueue_dma source(%arg12 : memref<16x1536xf32, #tpu.memory_space<vmem>>) target(%dma_start3A_128 : memref<16x1536xf32, #tpu.memory_space<hbm>>) target_semaphore(%arg20 : memref<!tpu.dma_semaphore, #tpu.memory_space<semaphore_mem>>)
    %dma_wait3A_129 = arith.constant 0 : i32
    %dma_wait3A_130 = tpu.memref_slice %arg4[%add3A_97, %dma_wait3A_129] : memref<4096x1536xf32, #tpu.memory_space<hbm>> -> memref<16x1536xf32, #tpu.memory_space<hbm>>
    %dma_wait3A_131 = arith.constant 0 : i32
    %dma_wait3A_132 = tpu.memref_slice %arg4[%add3A_97, %dma_wait3A_131] : memref<4096x1536xf32, #tpu.memory_space<hbm>> -> memref<16x1536xf32, #tpu.memory_space<hbm>>
    tpu.wait_dma2 semaphore(%arg17 : memref<!tpu.dma_semaphore, #tpu.memory_space<semaphore_mem>>) src(%arg9 : memref<16x1536xf32, #tpu.memory_space<vmem>>) dst(%dma_wait3A_132 : memref<16x1536xf32, #tpu.memory_space<hbm>>)
    %dma_wait3A_133 = arith.constant 0 : i32
    %dma_wait3A_134 = tpu.memref_slice %arg4[%add3A_106, %dma_wait3A_133] : memref<4096x1536xf32, #tpu.memory_space<hbm>> -> memref<16x1536xf32, #tpu.memory_space<hbm>>
    %dma_wait3A_135 = arith.constant 0 : i32
    %dma_wait3A_136 = tpu.memref_slice %arg4[%add3A_106, %dma_wait3A_135] : memref<4096x1536xf32, #tpu.memory_space<hbm>> -> memref<16x1536xf32, #tpu.memory_space<hbm>>
    tpu.wait_dma2 semaphore(%arg18 : memref<!tpu.dma_semaphore, #tpu.memory_space<semaphore_mem>>) src(%arg10 : memref<16x1536xf32, #tpu.memory_space<vmem>>) dst(%dma_wait3A_136 : memref<16x1536xf32, #tpu.memory_space<hbm>>)
    %dma_wait3A_137 = arith.constant 0 : i32
    %dma_wait3A_138 = tpu.memref_slice %arg4[%add3A_115, %dma_wait3A_137] : memref<4096x1536xf32, #tpu.memory_space<hbm>> -> memref<16x1536xf32, #tpu.memory_space<hbm>>
    %dma_wait3A_139 = arith.constant 0 : i32
    %dma_wait3A_140 = tpu.memref_slice %arg4[%add3A_115, %dma_wait3A_139] : memref<4096x1536xf32, #tpu.memory_space<hbm>> -> memref<16x1536xf32, #tpu.memory_space<hbm>>
    tpu.wait_dma2 semaphore(%arg19 : memref<!tpu.dma_semaphore, #tpu.memory_space<semaphore_mem>>) src(%arg11 : memref<16x1536xf32, #tpu.memory_space<vmem>>) dst(%dma_wait3A_140 : memref<16x1536xf32, #tpu.memory_space<hbm>>)
    %dma_wait3A_141 = arith.constant 0 : i32
    %dma_wait3A_142 = tpu.memref_slice %arg4[%add3A_124, %dma_wait3A_141] : memref<4096x1536xf32, #tpu.memory_space<hbm>> -> memref<16x1536xf32, #tpu.memory_space<hbm>>
    %dma_wait3A_143 = arith.constant 0 : i32
    %dma_wait3A_144 = tpu.memref_slice %arg4[%add3A_124, %dma_wait3A_143] : memref<4096x1536xf32, #tpu.memory_space<hbm>> -> memref<16x1536xf32, #tpu.memory_space<hbm>>
    tpu.wait_dma2 semaphore(%arg20 : memref<!tpu.dma_semaphore, #tpu.memory_space<semaphore_mem>>) src(%arg12 : memref<16x1536xf32, #tpu.memory_space<vmem>>) dst(%dma_wait3A_144 : memref<16x1536xf32, #tpu.memory_space<hbm>>)
    return
  }
}

module attributes {stable_mosaic.version = 14 : i64} {
  func.func @_ln_topk_body(%arg0: i32, %arg1: memref<512x1536xf32, #tpu.memory_space<vmem>>, %arg2: memref<1x1536xf32, #tpu.memory_space<vmem>>, %arg3: memref<1x1536xf32, #tpu.memory_space<vmem>>, %arg4: memref<512x1536xf32, #tpu.memory_space<vmem>>, %arg5: memref<512x1536xf32, #tpu.memory_space<vmem>>) attributes {dimension_semantics = [#tpu.dimension_semantics<parallel>], iteration_bounds = array<i64: 8>, scalar_prefetch = 0 : i64, scratch_operands = 0 : i64, tpu.core_type = #tpu.core_type<tc>, window_params = [{transform_indices = @transform_0, window_bounds = array<i64: 512, 1536>}, {pipeline_mode = #tpu.pipeline_mode<synchronous>, transform_indices = @transform_1, window_bounds = array<i64: 1, 1536>}, {pipeline_mode = #tpu.pipeline_mode<synchronous>, transform_indices = @transform_2, window_bounds = array<i64: 1, 1536>}, {transform_indices = @transform_3, window_bounds = array<i64: 512, 1536>}, {transform_indices = @transform_4, window_bounds = array<i64: 512, 1536>}]} {
    %get3A = arith.constant 0 : index
    %get3A_0 = arith.constant 0 : index
    %get3A_1 = vector.load %arg1[%get3A, %get3A_0] : memref<512x1536xf32, #tpu.memory_space<vmem>>, vector<512x1536xf32>
    %reduce_sum3A = arith.constant dense<0.000000e+00> : vector<512xf32>
    %reduce_sum3A_2 = vector.multi_reduction <add>, %get3A_1, %reduce_sum3A [1] : vector<512x1536xf32> to vector<512xf32>
    %broadcast_in_dim3A = vector.shape_cast %reduce_sum3A_2 : vector<512xf32> to vector<512x1xf32>
    %div3A = arith.constant 1.536000e+03 : f32
    %div3A_3 = vector.broadcast %div3A : f32 to vector<512x1xf32>
    %div3A_4 = arith.divf %broadcast_in_dim3A, %div3A_3 : vector<512x1xf32>
    %mul3A = arith.mulf %get3A_1, %get3A_1 : vector<512x1536xf32>
    %reduce_sum3A_5 = arith.constant dense<0.000000e+00> : vector<512xf32>
    %reduce_sum3A_6 = vector.multi_reduction <add>, %mul3A, %reduce_sum3A_5 [1] : vector<512x1536xf32> to vector<512xf32>
    %broadcast_in_dim3A_7 = vector.shape_cast %reduce_sum3A_6 : vector<512xf32> to vector<512x1xf32>
    %div3A_8 = arith.constant 1.536000e+03 : f32
    %div3A_9 = vector.broadcast %div3A_8 : f32 to vector<512x1xf32>
    %div3A_10 = arith.divf %broadcast_in_dim3A_7, %div3A_9 : vector<512x1xf32>
    %mul3A_11 = arith.mulf %div3A_4, %div3A_4 : vector<512x1xf32>
    %sub3A = arith.subf %div3A_10, %mul3A_11 : vector<512x1xf32>
    %add3A = arith.constant 9.99999974E-6 : f32
    %add3A_12 = vector.broadcast %add3A : f32 to vector<512x1xf32>
    %add3A_13 = arith.addf %sub3A, %add3A_12 : vector<512x1xf32>
    %rsqrt3A = math.rsqrt %add3A_13 : vector<512x1xf32>
    %sub3A_14 = vector.broadcast %div3A_4 : vector<512x1xf32> to vector<512x1536xf32>
    %sub3A_15 = arith.subf %get3A_1, %sub3A_14 : vector<512x1536xf32>
    %mul3A_16 = vector.broadcast %rsqrt3A : vector<512x1xf32> to vector<512x1536xf32>
    %mul3A_17 = arith.mulf %sub3A_15, %mul3A_16 : vector<512x1536xf32>
    %get3A_18 = arith.constant 0 : index
    %get3A_19 = arith.constant 0 : index
    %get3A_20 = vector.load %arg2[%get3A_18, %get3A_19] : memref<1x1536xf32, #tpu.memory_space<vmem>>, vector<1x1536xf32>
    %mul3A_21 = vector.broadcast %get3A_20 : vector<1x1536xf32> to vector<512x1536xf32>
    %mul3A_22 = arith.mulf %mul3A_17, %mul3A_21 : vector<512x1536xf32>
    %get3A_23 = arith.constant 0 : index
    %get3A_24 = arith.constant 0 : index
    %get3A_25 = vector.load %arg3[%get3A_23, %get3A_24] : memref<1x1536xf32, #tpu.memory_space<vmem>>, vector<1x1536xf32>
    %add3A_26 = vector.broadcast %get3A_25 : vector<1x1536xf32> to vector<512x1536xf32>
    %add3A_27 = arith.addf %mul3A_22, %add3A_26 : vector<512x1536xf32>
    %swap3A = arith.constant 0 : index
    %swap3A_28 = arith.constant 0 : index
    %swap3A_29 = vector.load %arg5[%swap3A, %swap3A_28] : memref<512x1536xf32, #tpu.memory_space<vmem>>, vector<512x1536xf32>
    tpu.vector_store %arg5[%swap3A, %swap3A_28], %add3A_27 {strides = array<i32>} : memref<512x1536xf32, #tpu.memory_space<vmem>>, vector<512x1536xf32>,
    %abs3A = math.absf %add3A_27 : vector<512x1536xf32>
    %broadcast_in_dim3A_30 = arith.constant 0.000000e+00 : f32
    %broadcast_in_dim3A_31 = vector.broadcast %broadcast_in_dim3A_30 : f32 to vector<512x1xf32>
    %broadcast_in_dim3A_32 = arith.constant 3.0267396 : f32
    %broadcast_in_dim3A_33 = vector.broadcast %broadcast_in_dim3A_32 : f32 to vector<512x1xf32>
    %scan3A = arith.constant 0 : i32
    %scan3A_34 = arith.constant 12 : i32
    %scan3A_35 = arith.addi %scan3A, %scan3A_34 : i32
    %scan3A_36 = arith.constant 1 : i32
    %scan3A_37:2 = scf.for %scan3A_43 = %scan3A to %scan3A_35 step %scan3A_36 iter_args(%scan3A_44 = %broadcast_in_dim3A_31, %scan3A_45 = %broadcast_in_dim3A_33) -> (vector<512x1xf32>, vector<512x1xf32>)  : i32 {
      %sub3A_46 = arith.subf %scan3A_45, %scan3A_44 : vector<512x1xf32>
      %mul3A_47 = arith.constant 0.333333343 : f32
      %mul3A_48 = vector.broadcast %mul3A_47 : f32 to vector<512x1xf32>
      %mul3A_49 = arith.mulf %sub3A_46, %mul3A_48 : vector<512x1xf32>
      %add3A_50 = arith.addf %scan3A_44, %mul3A_49 : vector<512x1xf32>
      %sub3A_51 = arith.subf %scan3A_45, %mul3A_49 : vector<512x1xf32>
      %ge3A_52 = vector.broadcast %add3A_50 : vector<512x1xf32> to vector<512x1536xf32>
      %ge3A_53 = arith.cmpf oge, %abs3A, %ge3A_52 : vector<512x1536xf32>
      %jit3A = arith.constant 1.000000e+00 : f32
      %jit3A_54 = arith.constant 0.000000e+00 : f32
      %broadcast_in_dim3A_55 = vector.broadcast %jit3A : f32 to vector<512x1536xf32>
      %broadcast_in_dim3A_56 = vector.broadcast %jit3A_54 : f32 to vector<512x1536xf32>
      %select_n3A = arith.select %ge3A_53, %broadcast_in_dim3A_55, %broadcast_in_dim3A_56 : vector<512x1536xi1>, vector<512x1536xf32>
      %reduce_sum3A_57 = arith.constant dense<0.000000e+00> : vector<512xf32>
      %reduce_sum3A_58 = vector.multi_reduction <add>, %select_n3A, %reduce_sum3A_57 [1] : vector<512x1536xf32> to vector<512xf32>
      %broadcast_in_dim3A_59 = vector.shape_cast %reduce_sum3A_58 : vector<512xf32> to vector<512x1xf32>
      %ge3A_60 = vector.broadcast %sub3A_51 : vector<512x1xf32> to vector<512x1536xf32>
      %ge3A_61 = arith.cmpf oge, %abs3A, %ge3A_60 : vector<512x1536xf32>
      %jit3A_62 = arith.constant 1.000000e+00 : f32
      %jit3A_63 = arith.constant 0.000000e+00 : f32
      %broadcast_in_dim3A_64 = vector.broadcast %jit3A_62 : f32 to vector<512x1536xf32>
      %broadcast_in_dim3A_65 = vector.broadcast %jit3A_63 : f32 to vector<512x1536xf32>
      %select_n3A_66 = arith.select %ge3A_61, %broadcast_in_dim3A_64, %broadcast_in_dim3A_65 : vector<512x1536xi1>, vector<512x1536xf32>
      %reduce_sum3A_67 = arith.constant dense<0.000000e+00> : vector<512xf32>
      %reduce_sum3A_68 = vector.multi_reduction <add>, %select_n3A_66, %reduce_sum3A_67 [1] : vector<512x1536xf32> to vector<512xf32>
      %broadcast_in_dim3A_69 = vector.shape_cast %reduce_sum3A_68 : vector<512xf32> to vector<512x1xf32>
      %ge3A_70 = arith.constant 1.680000e+02 : f32
      %ge3A_71 = vector.broadcast %ge3A_70 : f32 to vector<512x1xf32>
      %ge3A_72 = arith.cmpf oge, %broadcast_in_dim3A_59, %ge3A_71 : vector<512x1xf32>
      %ge3A_73 = arith.constant 1.680000e+02 : f32
      %ge3A_74 = vector.broadcast %ge3A_73 : f32 to vector<512x1xf32>
      %ge3A_75 = arith.cmpf oge, %broadcast_in_dim3A_69, %ge3A_74 : vector<512x1xf32>
      %select_n3A_76 = arith.select %ge3A_72, %add3A_50, %scan3A_44 : vector<512x1xi1>, vector<512x1xf32>
      %select_n3A_77 = arith.select %ge3A_75, %sub3A_51, %select_n3A_76 : vector<512x1xi1>, vector<512x1xf32>
      %select_n3A_78 = arith.select %ge3A_75, %scan3A_45, %sub3A_51 : vector<512x1xi1>, vector<512x1xf32>
      %select_n3A_79 = arith.select %ge3A_72, %select_n3A_78, %add3A_50 : vector<512x1xi1>, vector<512x1xf32>
      scf.yield %select_n3A_77, %select_n3A_79 : vector<512x1xf32>, vector<512x1xf32>
    }
    %ge3A = vector.broadcast %scan3A_37#0 : vector<512x1xf32> to vector<512x1536xf32>
    %ge3A_38 = arith.cmpf oge, %abs3A, %ge3A : vector<512x1536xf32>
    %convert_element_type3A = arith.extui %ge3A_38 : vector<512x1536xi1> to vector<512x1536xi32>
    %convert_element_type3A_39 = arith.sitofp %convert_element_type3A : vector<512x1536xi32> to vector<512x1536xf32>
    %swap3A_40 = arith.constant 0 : index
    %swap3A_41 = arith.constant 0 : index
    %swap3A_42 = vector.load %arg4[%swap3A_40, %swap3A_41] : memref<512x1536xf32, #tpu.memory_space<vmem>>, vector<512x1536xf32>
    tpu.vector_store %arg4[%swap3A_40, %swap3A_41], %convert_element_type3A_39 {strides = array<i32>} : memref<512x1536xf32, #tpu.memory_space<vmem>>, vector<512x1536xf32>,
    return
  }
  func.func @transform_0(%arg0: i32) -> (i32, i32) {
    %c0_i32 = arith.constant 0 : i32
    %c0_i32_0 = arith.constant 0 : i32
    return %arg0, %c0_i32 : i32, i32
  }
  func.func @transform_1(%arg0: i32) -> (i32, i32) {
    %c0_i32 = arith.constant 0 : i32
    %c0_i32_0 = arith.constant 0 : i32
    %c0_i32_1 = arith.constant 0 : i32
    return %c0_i32, %c0_i32_0 : i32, i32
  }
  func.func @transform_2(%arg0: i32) -> (i32, i32) {
    %c0_i32 = arith.constant 0 : i32
    %c0_i32_0 = arith.constant 0 : i32
    %c0_i32_1 = arith.constant 0 : i32
    return %c0_i32, %c0_i32_0 : i32, i32
  }
  func.func @transform_3(%arg0: i32) -> (i32, i32) {
    %c0_i32 = arith.constant 0 : i32
    %c0_i32_0 = arith.constant 0 : i32
    return %arg0, %c0_i32 : i32, i32
  }
  func.func @transform_4(%arg0: i32) -> (i32, i32) {
    %c0_i32 = arith.constant 0 : i32
    %c0_i32_0 = arith.constant 0 : i32
    return %arg0, %c0_i32 : i32, i32
  }
}

</mosaic_0001>

<sc_bundles>
// kernel: kernel.4.cloned.1.call-start
scs
__scs_entry_jumppad:
0x0: {  	(pc) =	sbr.rel $0x88, $3  }
0x1: {  	(tag) =	ssettag $0x0;
	lr =	simm.s32 $0x1  }
0x2: {  	[smem:$0x3F9D] =	sst lr;
	_ =	strace $0xD0000000  }
0x3: {  	_ = 	snop  }
0x4: {  	_ = 	snop  }
0x5: {  	_ = 	snop  }
0x6: {  	_ = 	snop  }
0x7: {  	_ = 	snop  }
__scs_overlays_trampoline_lowered:
0x8: {  	[smem:$0x3FAC] =	sst s0  }
0x9: {  	[smem:$0x3FAD] =	sst s1  }
0xa: {  	[smem:$0x3FAE] =	sst s2  }
0xb: {  	[smem:$0x3FAF] =	sst s3  }
0xc: {  	[smem:$0x3FB0] =	sst s4  }
0xd: {  	[smem:$0x3FB1] =	sst s5  }
0xe: {  	[smem:$0x3FB2] =	sst s6  }
0xf: {  	[smem:$0x3FB3] =	sst s7  }
0x10: {  	[smem:$0x3FB4] =	sst s8  }
0x11: {  	[smem:$0x3FB5] =	sst s9;
	s0 =	simm.s32 @!p0 $0x0  }
0x12: {  	s1 =	sld [smem:$0x3F9B];
	s0 =	simm.s32 @p0 $0x1  }
0x13: {  	[smem:$0x3FB6] =	sst s0;
	s0 =	simm.s32 @!p1 $0x0  }
0x14: {  	s2 =	sld [smem:$0x3F9A];
	s0 =	simm.s32 @p1 $0x1  }
0x15: {  	[smem:$0x3FB7] =	sst s0;
	s0 =	simm.s32 @!p2 $0x0  }
0x16: {  	s3 =	sld [smem:$0x3FDB];
	s0 =	simm.s32 @p2 $0x1  }
0x17: {  	s4 =	simm.s32 $0x1BF5;
	[smem:$0x3FB9] =	sst s0  }
0x18: {  	s0 =	sld [smem:$0x3F9C];
	_ =	swait.ge [sflag:s4], $0x0  }
0x19: {  	s7 =	sld [smem:$0x3F9D]  }
0x1a: {  	s8 =	sadd.s32 $0xFFFFE003, lr  }
0x1b: {  	s9 =	sadd.s32 $0xFFFFFEF7, lr;
	s5 =	simm.s32 $0xFFFFFFFF;
	p2 =	slt.u32 s8, $0xFFFFF086  }
0x1c: {  	p1 =	slt.u32 s9, $0xF7A;
	s5 =	simm.s32 @!p2 $0x0  }
0x1d: {  	s5 =	simm.s32 @p1 $0x1;
	p0 =	seq.s32 s7, s2  }
0x1e: {  	s7 =	smul.u32 @!p0 $0xF7A, s2;
	p2 =	seq.s32 @!p0 s5, $0x0  }
0x1f: {  	s9 =	smul.u32 $0xF7A, s1;
	s8 =	simm.s32 @!p0 $0x1BF5;
	p2 =	por !p2, p0  }
0x20: {  	[sflag:s8] =	ssyncset.s32 @!p0 $0xFFFFF086;
	s6 =	sadd.s32 @!p0 s3, s7;
	s7 =	simm.s32 @!p0 $0x108  }
0x21: {  	s3 =	sadd.s32 s3, s9;
	s6 =	sadd.s32 @!p0 $0x88, s6;
	s7 =	simm.s32 @p2 $0x1082  }
0x22: {  	[simem:s7], [sflag:s8] =	dma.local @!p0 [hbm:s6], $0xF7A  }
0x23: {  	s9 =	sor.u32 $0xD0000000, s2;
	s6 =	simm.s32 $0x108;
	_ =	swait.ge @!p0 [sflag:s8], $0x0  }
0x24: {  	s3 =	sadd.s32 $0x88, s3;
	s6 =	simm.s32 @!p1 $0x1082;
	[sflag:s4] =	ssyncset.s32 $0xFFFFF086  }
0x25: {  	[simem:s6], [sflag:s4] =	dma.local [hbm:s3], $0xF7A  }
0x26: {  	[smem:$0x3F9D] =	sst s1;
	(tag) =	ssettag s2;
	_ =	strace s9  }
0x27: {  	s1 =	sld [smem:$0x3FAD]  }
0x28: {  	s2 =	sld [smem:$0x3FAE]  }
0x29: {  	s4 =	sld [smem:$0x3FB0]  }
0x2a: {  	p0 =	seq.s32 s5, $0x0;
	s5 =	sld [smem:$0x3FB1]  }
0x2b: {  	s6 =	sld [smem:$0x3FB2]  }
0x2c: {  	s7 =	sld [smem:$0x3FB3]  }
0x2d: {  	s3 =	simm.s32 $0x108;
	s8 =	sld [smem:$0x3FB4]  }
0x2e: {  	s3 =	simm.s32 @!p0 $0x1082;
	s9 =	sld [smem:$0x3FB5]  }
0x2f: {  	lr =	sadd.s32 s0, s3;
	s0 =	sld [smem:$0x3FAC]  }
0x30: {  	s3 =	sld [smem:$0x3FAF]  }
0x31: {  	[smem:$0x3FB8] =	sst s10  }
0x32: {  	s10 =	sld [smem:$0x3FB6];
	_ =	sdelay $0x3  }
0x33: {  	p0 =	seq.s32 s10, $0x1;
	s10 =	sld [smem:$0x3FB8];
	_ =	sdelay $0x3  }
0x34: {  	[smem:$0x3FB8] =	sst s10  }
0x35: {  	s10 =	sld [smem:$0x3FB7];
	_ =	sdelay $0x3  }
0x36: {  	p1 =	seq.s32 s10, $0x1;
	s10 =	sld [smem:$0x3FB8];
	_ =	sdelay $0x3  }
0x37: {  	[smem:$0x3FB8] =	sst s10  }
0x38: {  	s10 =	sld [smem:$0x3FB9]  }
0x39: {  	_ = 	snop;
	(pc) =	sbr.ind lr, $3  }
0x3a: {  	_ = 	snop  }
0x3b: {  	_ = 	snop  }
0x3c: {  	p2 =	seq.s32 s10, $0x1;
	s10 =	sld [smem:$0x3FB8]  }
0x3d: {  	_ =	shalt  }
0x3e: {  	_ =	shalt  }
0x3f: {  	_ =	shalt  }
0x40: {  	_ =	shalt  }
0x41: {  	_ =	shalt  }
0x42: {  	_ =	shalt  }
0x43: {  	_ =	shalt  }
0x44: {  	_ =	shalt  }
0x45: {  	_ =	shalt  }
0x46: {  	_ =	shalt  }
0x47: {  	_ =	shalt  }
0x48: {  	_ =	shalt  }
0x49: {  	_ =	shalt  }
0x4a: {  	_ =	shalt  }
0x4b: {  	_ =	shalt  }
0x4c: {  	_ =	shalt  }
0x4d: {  	_ =	shalt  }
0x4e: {  	_ =	shalt  }
0x4f: {  	_ =	shalt  }
0x50: {  	_ =	shalt  }
0x51: {  	_ =	shalt  }
0x52: {  	_ =	shalt  }
0x53: {  	_ =	shalt  }
0x54: {  	_ =	shalt  }
0x55: {  	_ =	shalt  }
0x56: {  	_ =	shalt  }
0x57: {  	_ =	shalt  }
0x58: {  	_ =	shalt  }
0x59: {  	_ =	shalt  }
0x5a: {  	_ =	shalt  }
0x5b: {  	_ =	shalt  }
0x5c: {  	_ =	shalt  }
0x5d: {  	_ =	shalt  }
0x5e: {  	_ =	shalt  }
0x5f: {  	_ =	shalt  }
0x60: {  	_ =	shalt  }
0x61: {  	_ =	shalt  }
0x62: {  	_ =	shalt  }
0x63: {  	_ =	shalt  }
0x64: {  	_ =	shalt  }
0x65: {  	_ =	shalt  }
0x66: {  	_ =	shalt  }
0x67: {  	_ =	shalt  }
0x68: {  	_ =	shalt  }
0x69: {  	_ =	shalt  }
0x6a: {  	_ =	shalt  }
0x6b: {  	_ =	shalt  }
0x6c: {  	_ =	shalt  }
0x6d: {  	_ =	shalt  }
0x6e: {  	_ =	shalt  }
0x6f: {  	_ =	shalt  }
0x70: {  	_ =	shalt  }
0x71: {  	_ =	shalt  }
0x72: {  	_ =	shalt  }
0x73: {  	_ =	shalt  }
0x74: {  	_ =	shalt  }
0x75: {  	_ =	shalt  }
0x76: {  	_ =	shalt  }
0x77: {  	_ =	shalt  }
0x78: {  	_ =	shalt  }
0x79: {  	_ =	shalt  }
0x7a: {  	_ =	shalt  }
0x7b: {  	_ =	shalt  }
0x7c: {  	_ =	shalt  }
0x7d: {  	_ =	shalt  }
0x7e: {  	_ =	shalt  }
0x7f: {  	_ =	shalt  }
0x80: {  	_ =	shalt  }
0x81: {  	_ =	shalt  }
0x82: {  	_ =	shalt  }
0x83: {  	_ =	shalt  }
0x84: {  	_ =	shalt  }
0x85: {  	_ =	shalt  }
0x86: {  	_ =	shalt  }
0x87: {  	_ =	shalt  }
.Lfunc_end0:
.L_simem_size_0:
called_computation_lowered:
.L_overlay_start_0:
0x88: {  	s2 =	sld [smem:$0x3FD9]  }
0x89: {  	s3 =	sld [smem:$0x3FFE];
	_ =	sdelay $0x1  }
0x8a: {  	s1 =	srdreg.scid  }
0x8b: {  	s0 =	sand.u32 $0x1, s1  }
0x8c: {  	s14 =	sshll.u32 s0, $0xA;
	s2 =	sadd.s32 s3, s2  }
0x8d: {  	s2 =	sadd.s32 s2, s14  }
0x8e: {  	[smem:$0x3FC4] =	sst s2  }
0x8f: {  	_ = 	snop  }
0x90: {  	s2 =	sld [smem:$0x3FD0];
	_ =	sdelay $0x2  }
0x91: {  	s4 =	simm.s32 $0xA;
	s5 =	simm.s32 $0x10;
	s15 =	sld [smem:$0x3FC8]  }
0x92: {  	[smem:s5], [sflag:s4] =	dma.local [hbm:s2], $0x1  }
0x93: {  	_ =	swait.eq [sflag:s4], $0x1  }
0x94: {  	[sflag:s4] =	ssyncset.done $0x0  }
0x95: {  	[sflag:s4] =	ssyncadd.s32 $0xFFFFFFFF  }
0x96: {  	s16 =	sld [smem:$0x11];
	(tm) =	ssettm $0x1  }
0x97: {  	s17 =	sld [smem:$0x3FFB];
	_ =	sdelay $0x3  }
0x98: {  	_ =	strace s17  }
0x99: {  	s4 =	sld [smem:$0x3FFC];
	_ =	sdelay $0x3  }
0x9a: {  	_ =	strace s4  }
0x9b: {  	s4 =	sld [smem:$0x3FFD];
	_ =	sdelay $0x3  }
0x9c: {  	_ =	strace s4  }
0x9d: {  	_ =	strace $0x8FFFFFFF  }
0x9e: {  	s18 =	sld [smem:$0x3FDB];
	_ =	sdelay $0x1  }
0x9f: {  	s19 =	simm.s32 $_scs_section_size  }
0xa0: {  	s6 =	simm.s32 $_size__tile_overlayer_lowered;
	s7 =	simm.s32 $_tile_overlayer_lowered  }
0xa1: {  	s22 =	simm.s32 $0x1BFF;
	s21 =	sshll.u32 s7, $0x1;
	s4 =	sadd.s32 s19, s18  }
0xa2: {  	s8 =	simm.s32 $0x0;
	s20 =	sshll.u32 s6, $0x1;
	s6 =	sadd.s32 s21, s4  }
0xa3: {  	[timem:s8], [sflag:s22] =	dma.local [hbm:s6], s20  }
0xa4: {  	_ =	swait.ge [sflag:s22], s20  }
0xa5: {  	s5 =	ssub.s32 $0x0, s20;
	[sflag:s22] =	ssyncset.done $0x0  }
0xa6: {  	[sflag:s22] =	ssyncadd.s32 s5;
	_ =	sdelay $0x1  }
0xa7: {  	s23 =	simm.s32 $0x1B8B  }
0xa8: {  	_ =	swait.ge [sflag:s23], $0x1  }
0xa9: {  	[sflag:s23] =	ssyncset.done $0x0  }
0xaa: {  	s25 =	simm.s32 $0x1B8E;
	s24 =	sld [smem:$0x3FFE];
	[sflag:s23] =	ssyncadd.s32 $0xFFFFFFFF  }
0xab: {  	s26 =	simm.s32 $execute0_lowered;
	[smem:$0x3FD2] =	sst s25  }
0xac: {  	s6 =	sshll.u32 s26, $0x1;
	_ =	strace $0x80000046;
	[dreg:$0x1] =	wrdreg $0xFFFFFFFF  }
0xad: {  	s28 =	simm.s32 $_size_execute0_lowered;
	s4 =	sadd.s32 s4, s6;
	[dreg:$0x0] =	wrdreg $0x0  }
0xae: {  	s6 =	sshll.u32 s28, $0x1;
	[dreg:$0x2] =	wrdreg s4  }
0xaf: {  	[dreg:$0x3] =	wrdreg s6  }
0xb0: {  	[dreg:$0x4] =	wrdreg $0xC0  }
0xb1: {  	_ =	task [dreg:s8], $0x5FFFF  }
0xb2: {  	[dreg:$0x1] =	wrdreg $0xFFFFFFFF  }
0xb3: {  	[dreg:$0x0] =	wrdreg $0x60  }
0xb4: {  	[dreg:$0x2] =	wrdreg s16  }
0xb5: {  	[dreg:$0x3] =	wrdreg s15  }
0xb6: {  	[dreg:$0x4] =	wrdreg s24  }
0xb7: {  	[dreg:$0x5] =	wrdreg $0x9  }
0xb8: {  	_ =	task.clear_ibuf [dreg:s8], $0x6FFFF;
	_ =	strace $0x90000046  }
0xb9: {  	s29 =	simm.s32 $0x9;
	_ =	strace $0x80000048  }
0xba: {  	_ =	swait.ge [sflag:s29], $0x1  }
0xbb: {  	[sflag:s29] =	ssyncadd.s32 $0xFFFFFFFF  }
0xbc: {  	_ =	strace $0x90000048  }
0xbd: {  	_ =	sfence  }
0xbe: {  	s30 =	sld [smem:$0x0];
	_ =	sdelay $0x2  }
0xbf: {  	s31 =	sshll.u32 s1, $0xD;
	s1 =	sshrl.u32 s1, $0x2  }
0xc0: {  	s3 =	sand.u32 $0x4000, s31;
	s1 =	sadd.s32 s1, s30  }
0xc1: {  	s0 =	sor.u32 s3, s0;
	s1 =	sshll.u32 s1, $0x11  }
0xc2: {  	s0 =	sor.u32 s1, s0  }
0xc3: {  	s0 =	sadd.s32 $0x8F2B, s0  }
0xc4: {  	[sflag:s0] =	ssyncadd.remote.s32 $0x1  }
0xc5: {  	_ =	sfence.sel $0xFFFF  }
0xc6: {  	[dreg:$0x0] =	wrdreg $0xFFFFFFFF;
	(pc) =	sbr.abs _section_cstart, $3  }
0xc7: {  	[dreg:$0x1] =	wrdreg $0xFFFFFFFF  }
0xc8: {  	_ =	task.clear_ibuf [dreg:s8], $0x2FFFF;
	_ =	strace $0x9FFFFFFF  }
0xc9: {  	(tm) =	ssettm $0x7FFFFFFF  }
tec
execute0_lowered:
.L_overlay_start_1:
0x0: {  	(tag) =	ssettag $0x1  }
0x1: {  	s0 =	rddreg [dreg:$0x0]  }
0x2: {  	s28 =	rddreg [dreg:$0x1]  }
0x3: {  	s1 =	rddreg [dreg:$0x2];
	s3 =	srdreg.scid  }
0x4: {  	s5 =	stileid.u32;
	s31 =	simm.s32 $0x80;
	s29 =	simm.s32 $0x9200  }
0x5: {  	s30 =	simm.s32 $0x9A00;
	s2 =	simm.s32 $0x5;
	s4 =	sand.u32 $0x1, s3  }
0x6: {  	s3 =	simm.s32 $0x0;
	s5 =	sshll.u32 s5, $0x5;
	s1 =	sadd.s32 $0xA00, s1  }
0x7: {  	s6 =	sshll.u32 s4, $0x4;
	[smem:$0x7FF] =	sst s3;
	s4 =	ssub.s32 $0x2, s4  }
0x8: {  	s6 =	sor.u32 s6, s5;
	_ =	strace $0x80000047;
	s11 =	sshrl.u32 s4, $0x1  }
0x9: {  	s5 =	sadd.s32 s0, s6;
	s7 =	sor.u32 $0x2, s6;
	s13 =	sor.u32 $0x4, s6  }
0xa: {  	s9 =	sor.u32 $0x6, s6;
	s10 =	smul.u32 $0x600, s6;
	s16 =	sor.u32 $0x8, s6  }
0xb: {  	s18 =	sor.u32 $0xA, s6;
	s11 =	ssub.s32 s4, s11;
	s21 =	sor.u32 $0xC, s6  }
0xc: {  	s4 =	sadd.s32 $0x100, s28;
	[dreg:$0x4] =	wrdreg s5;
	s12 =	sadd.s32 s0, s7  }
0xd: {  	s6 =	sor.u32 $0xE, s6;
	s8 =	sadd.s32 s0, s13;
	[dreg:$0x5] =	wrdreg s12  }
0xe: {  	s14 =	sadd.s32 s0, s9;
	s7 =	smul.u32 $0x600, s7;
	[dreg:$0x6] =	wrdreg s8  }
0xf: {  	s17 =	sadd.s32 s0, s16;
	s5 =	smul.u32 $0x600, s13;
	[dreg:$0x7] =	wrdreg s14  }
0x10: {  	s19 =	sadd.s32 s0, s18;
	s9 =	smul.u32 $0x600, s9;
	[dreg:$0x9] =	wrdreg s17  }
0x11: {  	s24 =	smul.u32 $0x600, s6;
	s15 =	sadd.s32 s1, s10;
	[dreg:$0xb] =	wrdreg s19  }
0x12: {  	s12 =	sadd.s32 s0, s21;
	s10 =	smul.u32 $0x600, s16;
	[dreg:$0x8] =	wrdreg s15  }
0x13: {  	s0 =	sadd.s32 s0, s6;
	s8 =	smul.u32 $0x600, s18;
	[dreg:$0xd] =	wrdreg s12  }
0x14: {  	s6 =	sadd.s32 $0x300, s28;
	s7 =	sadd.s32 s1, s7;
	[dreg:$0xf] =	wrdreg s0  }
0x15: {  	s20 =	sadd.s32 s1, s5;
	s5 =	sadd.s32 $0x200, s28;
	[dreg:$0xa] =	wrdreg s7  }
0x16: {  	s9 =	sadd.s32 s1, s9;
	s26 =	sadd.s32 s1, s24;
	[dreg:$0xc] =	wrdreg s20  }
0x17: {  	s24 =	simm.s32 $0x6200;
	s12 =	simm.s32 $0xC200;
	[dreg:$0xe] =	wrdreg s9  }
0x18: {  	s22 =	sadd.s32 s1, s10;
	s7 =	smul.u32 $0x600, s21;
	s23 =	sadd.s32 s1, s8  }
0x19: {  	s8 =	sadd.s32 $0x500, s28;
	[dreg:$0x13] =	wrdreg s26;
	s9 =	smax.u32 s11, $0x1  }
0x1a: {  	s10 =	simm.s32 $0x9;
	s20 =	simm.s32 $0x4200;
	[dreg:$0x10] =	wrdreg s22  }
0x1b: {  	v2 =	vlaneseq.u32;
	s21 =	simm.s32 $0x4A00;
	s11 =	simm.s32 $0x12200;
	[dreg:$0x11] =	wrdreg s23  }
0x1c: {  	vm0 =	vmmov $0xffff;
	v1 =	vshrl.u32 v2, $0x3;
	s23 =	simm.s32 $0xA00;
	s22 =	simm.s32 $0x5200;
	s25 =	sadd.s32 s1, s7  }
0x1d: {  	v0 =	vand.u32 $0x7, v2;
	v2 =	vor.u32 $0x8, v2;
	v1 =	vmul.u32 $0x8, v1;
	s7 =	sadd.s32 $0x400, s28;
	[dreg:$0x12] =	wrdreg s25;
	s25 =	simm.s32 $0xBA00  }
.LBB2_1:
0x1e: {  	s1 =	rddreg [dreg:$0x4]  }
0x1f: {  	[tilespmem:s3], [sflag:$0x9] =	stream.linear.gather [hbm4b:s1+s3], $0x10, $0x38;
	[tilespmem:$0x18200] =	vst v63  }
0x20: {  	_ =	swait.ge [sflag:s10], $0x10  }
0x21: {  	[sflag:s10] =	ssyncset.done $0x0  }
0x22: {  	[sflag:s10] =	ssyncadd.s32 $0xFFFFFFF0  }
0x23: {  	v3 =	vld [tilespmem:$0x0];
	_ =	sdelay $0x4  }
0x24: {  	v4 =	vshrl.u32 v3, $0x3  }
0x25: {  	v4 =	vmul.u32 $0x60, v4  }
0x26: {  	v3 =	vand.u32 $0x7, v3  }
0x27: {  	v3 =	vor.u32 v3, v4  }
0x28: {  	v4 =	vperm.xlane v3, v0;
	_ =	sdelay $0x1  }
0x29: {  	v4 =	vadd.s32 v1, v4;
	_ =	sdelay $0x3  }
0x2a: {  	s0 =	simm.s32 $0x200  }
0x2b: {  	[tilespmem:s0], [sflag:$0x1] =	stream.indirect_vreg.gather [hbm4b:s28+s3], $0x80, v4, vm0, $0xb8;
	[tilespmem:$0x18200] =	vst v63  }
0x2c: {  	_ = 	snop  }
0x2d: {  	[tilespmem:s23], [sflag:$0x1] =	stream.indirect_vreg.gather [hbm4b:s4+s3], $0x80, v4, vm0, $0xb8;
	[tilespmem:$0x18200] =	vst v63  }
0x2e: {  	s13 =	simm.s32 $0x1200  }
0x2f: {  	[tilespmem:s13], [sflag:$0x1] =	stream.indirect_vreg.gather [hbm4b:s5+s3], $0x80, v4, vm0, $0xb8;
	[tilespmem:$0x18200] =	vst v63  }
0x30: {  	s14 =	simm.s32 $0x1A00;
	v3 =	vperm.xlane v3, v2  }
0x31: {  	[tilespmem:s14], [sflag:$0x1] =	stream.indirect_vreg.gather [hbm4b:s6+s3], $0x80, v4, vm0, $0xb8;
	[tilespmem:$0x18200] =	vst v63  }
0x32: {  	s15 =	simm.s32 $0x2200;
	v3 =	vadd.s32 v1, v3  }
0x33: {  	[tilespmem:s15], [sflag:$0x1] =	stream.indirect_vreg.gather [hbm4b:s7+s3], $0x80, v4, vm0, $0xb8;
	[tilespmem:$0x18200] =	vst v63  }
0x34: {  	s17 =	simm.s32 $0x2A00  }
0x35: {  	[tilespmem:s17], [sflag:$0x1] =	stream.indirect_vreg.gather [hbm4b:s8+s3], $0x80, v4, vm0, $0xb8;
	[tilespmem:$0x18200] =	vst v63  }
0x36: {  	s18 =	simm.s32 $0x3200  }
0x37: {  	[tilespmem:s18], [sflag:$0x1] =	stream.indirect_vreg.gather [hbm4b:s28+s3], $0x80, v3, vm0, $0xb8;
	[tilespmem:$0x18200] =	vst v63  }
0x38: {  	s19 =	simm.s32 $0x3A00  }
0x39: {  	[tilespmem:s19], [sflag:$0x1] =	stream.indirect_vreg.gather [hbm4b:s4+s3], $0x80, v3, vm0, $0xb8;
	[tilespmem:$0x18200] =	vst v63  }
0x3a: {  	_ = 	snop  }
0x3b: {  	[tilespmem:s20], [sflag:$0x1] =	stream.indirect_vreg.gather [hbm4b:s5+s3], $0x80, v3, vm0, $0xb8;
	[tilespmem:$0x18200] =	vst v63  }
0x3c: {  	_ = 	snop  }
0x3d: {  	[tilespmem:s21], [sflag:$0x1] =	stream.indirect_vreg.gather [hbm4b:s6+s3], $0x80, v3, vm0, $0xb8;
	[tilespmem:$0x18200] =	vst v63  }
0x3e: {  	_ = 	snop  }
0x3f: {  	[tilespmem:s22], [sflag:$0x1] =	stream.indirect_vreg.gather [hbm4b:s7+s3], $0x80, v3, vm0, $0xb8;
	[tilespmem:$0x18200] =	vst v63  }
0x40: {  	s16 =	simm.s32 $0x5A00  }
0x41: {  	[tilespmem:s16], [sflag:$0x1] =	stream.indirect_vreg.gather [hbm4b:s8+s3], $0x80, v3, vm0, $0xb8;
	[tilespmem:$0x18200] =	vst v63  }
0x42: {  	s0 =	rddreg [dreg:$0x5]  }
0x43: {  	[tilespmem:s31], [sflag:$0x9] =	stream.linear.gather [hbm4b:s0+s3], $0x10, $0x38;
	[tilespmem:$0x18200] =	vst v63  }
0x44: {  	_ =	swait.ge [sflag:s10], $0x10  }
0x45: {  	[sflag:s10] =	ssyncset.done $0x0  }
0x46: {  	[sflag:s10] =	ssyncadd.s32 $0xFFFFFFF0  }
0x47: {  	v3 =	vld [tilespmem:$0x80];
	_ =	sdelay $0x4  }
0x48: {  	v57 =	vshrl.u32 v3, $0x3  }
0x49: {  	v4 =	vmul.u32 $0x60, v57  }
0x4a: {  	v3 =	vand.u32 $0x7, v3  }
0x4b: {  	v3 =	vor.u32 v3, v4  }
0x4c: {  	v4 =	vperm.xlane v3, v0;
	_ =	sdelay $0x1  }
0x4d: {  	v4 =	vadd.s32 v1, v4;
	_ =	sdelay $0x4  }
0x4e: {  	[tilespmem:s24], [sflag:$0x2] =	stream.indirect_vreg.gather [hbm4b:s28+s3], $0x80, v4, vm0, $0xb8;
	[tilespmem:$0x18200] =	vst v63  }
0x4f: {  	s1 =	simm.s32 $0x6A00  }
0x50: {  	[tilespmem:s1], [sflag:$0x2] =	stream.indirect_vreg.gather [hbm4b:s4+s3], $0x80, v4, vm0, $0xb8;
	[tilespmem:$0x18200] =	vst v63  }
0x51: {  	s26 =	simm.s32 $0x7200  }
0x52: {  	[tilespmem:s26], [sflag:$0x2] =	stream.indirect_vreg.gather [hbm4b:s5+s3], $0x80, v4, vm0, $0xb8;
	[tilespmem:$0x18200] =	vst v63  }
0x53: {  	v3 =	vperm.xlane v3, v2;
	s1 =	simm.s32 $0x7A00  }
0x54: {  	[tilespmem:s1], [sflag:$0x2] =	stream.indirect_vreg.gather [hbm4b:s6+s3], $0x80, v4, vm0, $0xb8;
	[tilespmem:$0x18200] =	vst v63  }
0x55: {  	v3 =	vadd.s32 v1, v3;
	s26 =	simm.s32 $0x8200  }
0x56: {  	[tilespmem:s26], [sflag:$0x2] =	stream.indirect_vreg.gather [hbm4b:s7+s3], $0x80, v4, vm0, $0xb8;
	[tilespmem:$0x18200] =	vst v63  }
0x57: {  	s1 =	simm.s32 $0x8A00  }
0x58: {  	[tilespmem:s1], [sflag:$0x2] =	stream.indirect_vreg.gather [hbm4b:s8+s3], $0x80, v4, vm0, $0xb8;
	[tilespmem:$0x18200] =	vst v63  }
0x59: {  	_ = 	snop  }
0x5a: {  	[tilespmem:s29], [sflag:$0x2] =	stream.indirect_vreg.gather [hbm4b:s28+s3], $0x80, v3, vm0, $0xb8;
	[tilespmem:$0x18200] =	vst v63  }
0x5b: {  	_ = 	snop  }
0x5c: {  	[tilespmem:s30], [sflag:$0x2] =	stream.indirect_vreg.gather [hbm4b:s4+s3], $0x80, v3, vm0, $0xb8;
	[tilespmem:$0x18200] =	vst v63  }
0x5d: {  	s26 =	simm.s32 $0xA200  }
0x5e: {  	[tilespmem:s26], [sflag:$0x2] =	stream.indirect_vreg.gather [hbm4b:s5+s3], $0x80, v3, vm0, $0xb8;
	[tilespmem:$0x18200] =	vst v63  }
0x5f: {  	s1 =	simm.s32 $0xAA00  }
0x60: {  	[tilespmem:s1], [sflag:$0x2] =	stream.indirect_vreg.gather [hbm4b:s6+s3], $0x80, v3, vm0, $0xb8;
	[tilespmem:$0x18200] =	vst v63  }
0x61: {  	s26 =	simm.s32 $0xB200  }
0x62: {  	[tilespmem:s26], [sflag:$0x2] =	stream.indirect_vreg.gather [hbm4b:s7+s3], $0x80, v3, vm0, $0xb8;
	[tilespmem:$0x18200] =	vst v63  }
0x63: {  	_ = 	snop  }
0x64: {  	[tilespmem:s25], [sflag:$0x2] =	stream.indirect_vreg.gather [hbm4b:s8+s3], $0x80, v3, vm0, $0xb8;
	[tilespmem:$0x18200] =	vst v63  }
0x65: {  	s0 =	rddreg [dreg:$0x6];
	s26 =	simm.s32 $0x100  }
0x66: {  	[tilespmem:s26], [sflag:$0x9] =	stream.linear.gather [hbm4b:s0+s3], $0x10, $0x38;
	[tilespmem:$0x18200] =	vst v63  }
0x67: {  	_ =	swait.ge [sflag:s10], $0x10  }
0x68: {  	[sflag:s10] =	ssyncset.done $0x0  }
0x69: {  	[sflag:s10] =	ssyncadd.s32 $0xFFFFFFF0  }
0x6a: {  	v3 =	vld [tilespmem:$0x100];
	_ =	sdelay $0x4  }
0x6b: {  	v58 =	vshrl.u32 v3, $0x3  }
0x6c: {  	v4 =	vmul.u32 $0x60, v58  }
0x6d: {  	v3 =	vand.u32 $0x7, v3  }
0x6e: {  	v3 =	vor.u32 v3, v4  }
0x6f: {  	v4 =	vperm.xlane v3, v0;
	_ =	sdelay $0x1  }
0x70: {  	v4 =	vadd.s32 v1, v4;
	_ =	sdelay $0x4  }
0x71: {  	[tilespmem:s12], [sflag:$0x3] =	stream.indirect_vreg.gather [hbm4b:s28+s3], $0x80, v4, vm0, $0xb8;
	[tilespmem:$0x18200] =	vst v63  }
0x72: {  	s26 =	simm.s32 $0xCA00  }
0x73: {  	[tilespmem:s26], [sflag:$0x3] =	stream.indirect_vreg.gather [hbm4b:s4+s3], $0x80, v4, vm0, $0xb8;
	[tilespmem:$0x18200] =	vst v63  }
0x74: {  	s1 =	simm.s32 $0xD200  }
0x75: {  	[tilespmem:s1], [sflag:$0x3] =	stream.indirect_vreg.gather [hbm4b:s5+s3], $0x80, v4, vm0, $0xb8;
	[tilespmem:$0x18200] =	vst v63  }
0x76: {  	v3 =	vperm.xlane v3, v2;
	s26 =	simm.s32 $0xDA00  }
0x77: {  	[tilespmem:s26], [sflag:$0x3] =	stream.indirect_vreg.gather [hbm4b:s6+s3], $0x80, v4, vm0, $0xb8;
	[tilespmem:$0x18200] =	vst v63  }
0x78: {  	v3 =	vadd.s32 v1, v3;
	s1 =	simm.s32 $0xE200  }
0x79: {  	[tilespmem:s1], [sflag:$0x3] =	stream.indirect_vreg.gather [hbm4b:s7+s3], $0x80, v4, vm0, $0xb8;
	[tilespmem:$0x18200] =	vst v63  }
0x7a: {  	s26 =	simm.s32 $0xEA00  }
0x7b: {  	[tilespmem:s26], [sflag:$0x3] =	stream.indirect_vreg.gather [hbm4b:s8+s3], $0x80, v4, vm0, $0xb8;
	[tilespmem:$0x18200] =	vst v63  }
0x7c: {  	s1 =	simm.s32 $0xF200  }
0x7d: {  	[tilespmem:s1], [sflag:$0x3] =	stream.indirect_vreg.gather [hbm4b:s28+s3], $0x80, v3, vm0, $0xb8;
	[tilespmem:$0x18200] =	vst v63  }
0x7e: {  	s26 =	simm.s32 $0xFA00  }
0x7f: {  	[tilespmem:s26], [sflag:$0x3] =	stream.indirect_vreg.gather [hbm4b:s4+s3], $0x80, v3, vm0, $0xb8;
	[tilespmem:$0x18200] =	vst v63  }
0x80: {  	s1 =	simm.s32 $0x10200  }
0x81: {  	[tilespmem:s1], [sflag:$0x3] =	stream.indirect_vreg.gather [hbm4b:s5+s3], $0x80, v3, vm0, $0xb8;
	[tilespmem:$0x18200] =	vst v63  }
0x82: {  	s26 =	simm.s32 $0x10A00  }
0x83: {  	[tilespmem:s26], [sflag:$0x3] =	stream.indirect_vreg.gather [hbm4b:s6+s3], $0x80, v3, vm0, $0xb8;
	[tilespmem:$0x18200] =	vst v63  }
0x84: {  	s1 =	simm.s32 $0x11200  }
0x85: {  	[tilespmem:s1], [sflag:$0x3] =	stream.indirect_vreg.gather [hbm4b:s7+s3], $0x80, v3, vm0, $0xb8;
	[tilespmem:$0x18200] =	vst v63  }
0x86: {  	s26 =	simm.s32 $0x11A00  }
0x87: {  	[tilespmem:s26], [sflag:$0x3] =	stream.indirect_vreg.gather [hbm4b:s8+s3], $0x80, v3, vm0, $0xb8;
	[tilespmem:$0x18200] =	vst v63  }
0x88: {  	s1 =	rddreg [dreg:$0x7];
	s26 =	simm.s32 $0x180  }
0x89: {  	[tilespmem:s26], [sflag:$0x9] =	stream.linear.gather [hbm4b:s1+s3], $0x10, $0x38;
	[tilespmem:$0x18200] =	vst v63  }
0x8a: {  	_ =	swait.ge [sflag:s10], $0x10  }
0x8b: {  	[sflag:s10] =	ssyncset.done $0x0  }
0x8c: {  	[sflag:s10] =	ssyncadd.s32 $0xFFFFFFF0  }
0x8d: {  	v3 =	vld [tilespmem:$0x180];
	_ =	sdelay $0x4  }
0x8e: {  	v59 =	vshrl.u32 v3, $0x3  }
0x8f: {  	v4 =	vmul.u32 $0x60, v59  }
0x90: {  	v3 =	vand.u32 $0x7, v3  }
0x91: {  	v3 =	vor.u32 v3, v4  }
0x92: {  	v4 =	vperm.xlane v3, v0;
	_ =	sdelay $0x1  }
0x93: {  	v4 =	vadd.s32 v1, v4;
	_ =	sdelay $0x4  }
0x94: {  	[tilespmem:s11], [sflag:$0x4] =	stream.indirect_vreg.gather [hbm4b:s28+s3], $0x80, v4, vm0, $0xb8;
	[tilespmem:$0x18200] =	vst v63  }
0x95: {  	s1 =	simm.s32 $0x12A00  }
0x96: {  	[tilespmem:s1], [sflag:$0x4] =	stream.indirect_vreg.gather [hbm4b:s4+s3], $0x80, v4, vm0, $0xb8;
	[tilespmem:$0x18200] =	vst v63  }
0x97: {  	s26 =	simm.s32 $0x13200  }
0x98: {  	[tilespmem:s26], [sflag:$0x4] =	stream.indirect_vreg.gather [hbm4b:s5+s3], $0x80, v4, vm0, $0xb8;
	[tilespmem:$0x18200] =	vst v63  }
0x99: {  	v3 =	vperm.xlane v3, v2;
	s1 =	simm.s32 $0x13A00  }
0x9a: {  	[tilespmem:s1], [sflag:$0x4] =	stream.indirect_vreg.gather [hbm4b:s6+s3], $0x80, v4, vm0, $0xb8;
	[tilespmem:$0x18200] =	vst v63  }
0x9b: {  	v3 =	vadd.s32 v1, v3;
	s26 =	simm.s32 $0x14200  }
0x9c: {  	[tilespmem:s26], [sflag:$0x4] =	stream.indirect_vreg.gather [hbm4b:s7+s3], $0x80, v4, vm0, $0xb8;
	[tilespmem:$0x18200] =	vst v63  }
0x9d: {  	s1 =	simm.s32 $0x14A00  }
0x9e: {  	[tilespmem:s1], [sflag:$0x4] =	stream.indirect_vreg.gather [hbm4b:s8+s3], $0x80, v4, vm0, $0xb8;
	[tilespmem:$0x18200] =	vst v63  }
0x9f: {  	s26 =	simm.s32 $0x15200  }
0xa0: {  	[tilespmem:s26], [sflag:$0x4] =	stream.indirect_vreg.gather [hbm4b:s28+s3], $0x80, v3, vm0, $0xb8;
	[tilespmem:$0x18200] =	vst v63  }
0xa1: {  	s1 =	simm.s32 $0x15A00  }
0xa2: {  	[tilespmem:s1], [sflag:$0x4] =	stream.indirect_vreg.gather [hbm4b:s4+s3], $0x80, v3, vm0, $0xb8;
	[tilespmem:$0x18200] =	vst v63  }
0xa3: {  	s26 =	simm.s32 $0x16200  }
0xa4: {  	[tilespmem:s26], [sflag:$0x4] =	stream.indirect_vreg.gather [hbm4b:s5+s3], $0x80, v3, vm0, $0xb8;
	[tilespmem:$0x18200] =	vst v63  }
0xa5: {  	s1 =	simm.s32 $0x16A00  }
0xa6: {  	[tilespmem:s1], [sflag:$0x4] =	stream.indirect_vreg.gather [hbm4b:s6+s3], $0x80, v3, vm0, $0xb8;
	[tilespmem:$0x18200] =	vst v63  }
0xa7: {  	s26 =	simm.s32 $0x17200  }
0xa8: {  	[tilespmem:s26], [sflag:$0x4] =	stream.indirect_vreg.gather [hbm4b:s7+s3], $0x80, v3, vm0, $0xb8;
	[tilespmem:$0x18200] =	vst v63  }
0xa9: {  	s0 =	simm.s32 $0x1;
	s1 =	simm.s32 $0x17A00  }
0xaa: {  	[tilespmem:s1], [sflag:$0x4] =	stream.indirect_vreg.gather [hbm4b:s8+s3], $0x80, v3, vm0, $0xb8;
	[tilespmem:$0x18200] =	vst v63  }
0xab: {  	_ =	swait.ge [sflag:s0], $0x6000  }
0xac: {  	[sflag:s0] =	ssyncset.done $0x0  }
0xad: {  	s26 =	simm.s32 $0x200;
	s1 =	rddreg [dreg:$0x8];
	[sflag:s0] =	ssyncadd.s32 $0xFFFFA000  }
0xae: {  	[hbm4b:s1+s3] =	stream.linear.scatter [tilespmem:s26], [sflag:$0x5], $0x6000, $0x38;
	[tilespmem:$0x18200] =	vst v63  }
0xaf: {  	_ =	swait.ge [sflag:s2], $0x6000  }
0xb0: {  	[sflag:s2] =	ssyncset.done $0x0  }
0xb1: {  	s1 =	rddreg [dreg:$0x9];
	[sflag:s2] =	ssyncadd.s32 $0xFFFFA000  }
0xb2: {  	[tilespmem:s3], [sflag:$0x9] =	stream.linear.gather [hbm4b:s1+s3], $0x10, $0x38;
	[tilespmem:$0x18200] =	vst v63  }
0xb3: {  	_ =	swait.ge [sflag:s10], $0x10  }
0xb4: {  	[sflag:s10] =	ssyncset.done $0x0  }
0xb5: {  	[sflag:s10] =	ssyncadd.s32 $0xFFFFFFF0  }
0xb6: {  	v3 =	vld [tilespmem:$0x0];
	_ =	sdelay $0x4  }
0xb7: {  	v60 =	vshrl.u32 v3, $0x3  }
0xb8: {  	v4 =	vmul.u32 $0x60, v60  }
0xb9: {  	v3 =	vand.u32 $0x7, v3  }
0xba: {  	v3 =	vor.u32 v3, v4  }
0xbb: {  	v4 =	vperm.xlane v3, v0;
	_ =	sdelay $0x1  }
0xbc: {  	v4 =	vadd.s32 v1, v4;
	_ =	sdelay $0x4  }
0xbd: {  	[tilespmem:s26], [sflag:$0x1] =	stream.indirect_vreg.gather [hbm4b:s28+s3], $0x80, v4, vm0, $0xb8;
	[tilespmem:$0x18200] =	vst v63  }
0xbe: {  	_ = 	snop  }
0xbf: {  	[tilespmem:s23], [sflag:$0x1] =	stream.indirect_vreg.gather [hbm4b:s4+s3], $0x80, v4, vm0, $0xb8;
	[tilespmem:$0x18200] =	vst v63  }
0xc0: {  	_ = 	snop  }
0xc1: {  	[tilespmem:s13], [sflag:$0x1] =	stream.indirect_vreg.gather [hbm4b:s5+s3], $0x80, v4, vm0, $0xb8;
	[tilespmem:$0x18200] =	vst v63  }
0xc2: {  	v3 =	vperm.xlane v3, v2  }
0xc3: {  	[tilespmem:s14], [sflag:$0x1] =	stream.indirect_vreg.gather [hbm4b:s6+s3], $0x80, v4, vm0, $0xb8;
	[tilespmem:$0x18200] =	vst v63  }
0xc4: {  	v3 =	vadd.s32 v1, v3  }
0xc5: {  	[tilespmem:s15], [sflag:$0x1] =	stream.indirect_vreg.gather [hbm4b:s7+s3], $0x80, v4, vm0, $0xb8;
	[tilespmem:$0x18200] =	vst v63  }
0xc6: {  	_ = 	snop  }
0xc7: {  	[tilespmem:s17], [sflag:$0x1] =	stream.indirect_vreg.gather [hbm4b:s8+s3], $0x80, v4, vm0, $0xb8;
	[tilespmem:$0x18200] =	vst v63  }
0xc8: {  	_ = 	snop  }
0xc9: {  	[tilespmem:s18], [sflag:$0x1] =	stream.indirect_vreg.gather [hbm4b:s28+s3], $0x80, v3, vm0, $0xb8;
	[tilespmem:$0x18200] =	vst v63  }
0xca: {  	_ = 	snop  }
0xcb: {  	[tilespmem:s19], [sflag:$0x1] =	stream.indirect_vreg.gather [hbm4b:s4+s3], $0x80, v3, vm0, $0xb8;
	[tilespmem:$0x18200] =	vst v63  }
0xcc: {  	_ = 	snop  }
0xcd: {  	[tilespmem:s20], [sflag:$0x1] =	stream.indirect_vreg.gather [hbm4b:s5+s3], $0x80, v3, vm0, $0xb8;
	[tilespmem:$0x18200] =	vst v63  }
0xce: {  	_ = 	snop  }
0xcf: {  	[tilespmem:s21], [sflag:$0x1] =	stream.indirect_vreg.gather [hbm4b:s6+s3], $0x80, v3, vm0, $0xb8;
	[tilespmem:$0x18200] =	vst v63  }
0xd0: {  	_ = 	snop  }
0xd1: {  	[tilespmem:s22], [sflag:$0x1] =	stream.indirect_vreg.gather [hbm4b:s7+s3], $0x80, v3, vm0, $0xb8;
	[tilespmem:$0x18200] =	vst v63  }
0xd2: {  	s13 =	simm.s32 $0x2  }
0xd3: {  	[tilespmem:s16], [sflag:$0x1] =	stream.indirect_vreg.gather [hbm4b:s8+s3], $0x80, v3, vm0, $0xb8;
	[tilespmem:$0x18200] =	vst v63  }
0xd4: {  	_ =	swait.ge [sflag:s13], $0x6000  }
0xd5: {  	[sflag:s13] =	ssyncset.done $0x0  }
0xd6: {  	s14 =	simm.s32 $0x6;
	s16 =	rddreg [dreg:$0xa];
	[sflag:s13] =	ssyncadd.s32 $0xFFFFA000  }
0xd7: {  	[hbm4b:s16+s3] =	stream.linear.scatter [tilespmem:s24], [sflag:$0x6], $0x6000, $0x38;
	[tilespmem:$0x18200] =	vst v63  }
0xd8: {  	_ =	swait.ge [sflag:s14], $0x6000  }
0xd9: {  	[sflag:s14] =	ssyncset.done $0x0  }
0xda: {  	s17 =	rddreg [dreg:$0xb];
	[sflag:s14] =	ssyncadd.s32 $0xFFFFA000  }
0xdb: {  	[tilespmem:s31], [sflag:$0x9] =	stream.linear.gather [hbm4b:s17+s3], $0x10, $0x38;
	[tilespmem:$0x18200] =	vst v63  }
0xdc: {  	_ =	swait.ge [sflag:s10], $0x10  }
0xdd: {  	[sflag:s10] =	ssyncset.done $0x0  }
0xde: {  	[sflag:s10] =	ssyncadd.s32 $0xFFFFFFF0  }
0xdf: {  	v3 =	vld [tilespmem:$0x80];
	_ =	sdelay $0x4  }
0xe0: {  	v61 =	vshrl.u32 v3, $0x3  }
0xe1: {  	v4 =	vmul.u32 $0x60, v61  }
0xe2: {  	v3 =	vand.u32 $0x7, v3  }
0xe3: {  	v3 =	vor.u32 v3, v4  }
0xe4: {  	v4 =	vperm.xlane v3, v0;
	_ =	sdelay $0x1  }
0xe5: {  	v4 =	vadd.s32 v1, v4;
	_ =	sdelay $0x4  }
0xe6: {  	[tilespmem:s24], [sflag:$0x2] =	stream.indirect_vreg.gather [hbm4b:s28+s3], $0x80, v4, vm0, $0xb8;
	[tilespmem:$0x18200] =	vst v63  }
0xe7: {  	s18 =	simm.s32 $0x6A00  }
0xe8: {  	[tilespmem:s18], [sflag:$0x2] =	stream.indirect_vreg.gather [hbm4b:s4+s3], $0x80, v4, vm0, $0xb8;
	[tilespmem:$0x18200] =	vst v63  }
0xe9: {  	s19 =	simm.s32 $0x7200  }
0xea: {  	[tilespmem:s19], [sflag:$0x2] =	stream.indirect_vreg.gather [hbm4b:s5+s3], $0x80, v4, vm0, $0xb8;
	[tilespmem:$0x18200] =	vst v63  }
0xeb: {  	s15 =	simm.s32 $0x7A00;
	v3 =	vperm.xlane v3, v2  }
0xec: {  	[tilespmem:s15], [sflag:$0x2] =	stream.indirect_vreg.gather [hbm4b:s6+s3], $0x80, v4, vm0, $0xb8;
	[tilespmem:$0x18200] =	vst v63  }
0xed: {  	s16 =	simm.s32 $0x8200;
	v3 =	vadd.s32 v1, v3  }
0xee: {  	[tilespmem:s16], [sflag:$0x2] =	stream.indirect_vreg.gather [hbm4b:s7+s3], $0x80, v4, vm0, $0xb8;
	[tilespmem:$0x18200] =	vst v63  }
0xef: {  	s17 =	simm.s32 $0x8A00  }
0xf0: {  	[tilespmem:s17], [sflag:$0x2] =	stream.indirect_vreg.gather [hbm4b:s8+s3], $0x80, v4, vm0, $0xb8;
	[tilespmem:$0x18200] =	vst v63  }
0xf1: {  	_ = 	snop  }
0xf2: {  	[tilespmem:s29], [sflag:$0x2] =	stream.indirect_vreg.gather [hbm4b:s28+s3], $0x80, v3, vm0, $0xb8;
	[tilespmem:$0x18200] =	vst v63  }
0xf3: {  	_ = 	snop  }
0xf4: {  	[tilespmem:s30], [sflag:$0x2] =	stream.indirect_vreg.gather [hbm4b:s4+s3], $0x80, v3, vm0, $0xb8;
	[tilespmem:$0x18200] =	vst v63  }
0xf5: {  	s18 =	simm.s32 $0xA200  }
0xf6: {  	[tilespmem:s18], [sflag:$0x2] =	stream.indirect_vreg.gather [hbm4b:s5+s3], $0x80, v3, vm0, $0xb8;
	[tilespmem:$0x18200] =	vst v63  }
0xf7: {  	s19 =	simm.s32 $0xAA00  }
0xf8: {  	[tilespmem:s19], [sflag:$0x2] =	stream.indirect_vreg.gather [hbm4b:s6+s3], $0x80, v3, vm0, $0xb8;
	[tilespmem:$0x18200] =	vst v63  }
0xf9: {  	s15 =	simm.s32 $0xB200  }
0xfa: {  	[tilespmem:s15], [sflag:$0x2] =	stream.indirect_vreg.gather [hbm4b:s7+s3], $0x80, v3, vm0, $0xb8;
	[tilespmem:$0x18200] =	vst v63  }
0xfb: {  	s15 =	simm.s32 $0x3  }
0xfc: {  	[tilespmem:s25], [sflag:$0x2] =	stream.indirect_vreg.gather [hbm4b:s8+s3], $0x80, v3, vm0, $0xb8;
	[tilespmem:$0x18200] =	vst v63  }
0xfd: {  	_ =	swait.ge [sflag:s15], $0x6000  }
0xfe: {  	[sflag:s15] =	ssyncset.done $0x0  }
0xff: {  	s16 =	rddreg [dreg:$0xc];
	[sflag:s15] =	ssyncadd.s32 $0xFFFFA000  }
0x100: {  	[hbm4b:s16+s3] =	stream.linear.scatter [tilespmem:s12], [sflag:$0x7], $0x6000, $0x38;
	[tilespmem:$0x18200] =	vst v63  }
0x101: {  	s16 =	simm.s32 $0x7  }
0x102: {  	_ =	swait.ge [sflag:s16], $0x6000  }
0x103: {  	[sflag:s16] =	ssyncset.done $0x0  }
0x104: {  	s18 =	simm.s32 $0x100;
	s17 =	rddreg [dreg:$0xd];
	[sflag:s16] =	ssyncadd.s32 $0xFFFFA000  }
0x105: {  	[tilespmem:s18], [sflag:$0x9] =	stream.linear.gather [hbm4b:s17+s3], $0x10, $0x38;
	[tilespmem:$0x18200] =	vst v63  }
0x106: {  	_ =	swait.ge [sflag:s10], $0x10  }
0x107: {  	[sflag:s10] =	ssyncset.done $0x0  }
0x108: {  	[sflag:s10] =	ssyncadd.s32 $0xFFFFFFF0  }
0x109: {  	v3 =	vld [tilespmem:$0x100];
	_ =	sdelay $0x4  }
0x10a: {  	v62 =	vshrl.u32 v3, $0x3  }
0x10b: {  	v4 =	vmul.u32 $0x60, v62  }
0x10c: {  	v3 =	vand.u32 $0x7, v3  }
0x10d: {  	v3 =	vor.u32 v3, v4  }
0x10e: {  	v4 =	vperm.xlane v3, v0;
	_ =	sdelay $0x1  }
0x10f: {  	v4 =	vadd.s32 v1, v4;
	_ =	sdelay $0x4  }
0x110: {  	[tilespmem:s12], [sflag:$0x3] =	stream.indirect_vreg.gather [hbm4b:s28+s3], $0x80, v4, vm0, $0xb8;
	[tilespmem:$0x18200] =	vst v63  }
0x111: {  	s19 =	simm.s32 $0xCA00  }
0x112: {  	[tilespmem:s19], [sflag:$0x3] =	stream.indirect_vreg.gather [hbm4b:s4+s3], $0x80, v4, vm0, $0xb8;
	[tilespmem:$0x18200] =	vst v63  }
0x113: {  	s17 =	simm.s32 $0xD200  }
0x114: {  	[tilespmem:s17], [sflag:$0x3] =	stream.indirect_vreg.gather [hbm4b:s5+s3], $0x80, v4, vm0, $0xb8;
	[tilespmem:$0x18200] =	vst v63  }
0x115: {  	s18 =	simm.s32 $0xDA00;
	v3 =	vperm.xlane v3, v2  }
0x116: {  	[tilespmem:s18], [sflag:$0x3] =	stream.indirect_vreg.gather [hbm4b:s6+s3], $0x80, v4, vm0, $0xb8;
	[tilespmem:$0x18200] =	vst v63  }
0x117: {  	v3 =	vadd.s32 v1, v3;
	s19 =	simm.s32 $0xE200  }
0x118: {  	[tilespmem:s19], [sflag:$0x3] =	stream.indirect_vreg.gather [hbm4b:s7+s3], $0x80, v4, vm0, $0xb8;
	[tilespmem:$0x18200] =	vst v63  }
0x119: {  	s17 =	simm.s32 $0xEA00  }
0x11a: {  	[tilespmem:s17], [sflag:$0x3] =	stream.indirect_vreg.gather [hbm4b:s8+s3], $0x80, v4, vm0, $0xb8;
	[tilespmem:$0x18200] =	vst v63  }
0x11b: {  	s18 =	simm.s32 $0xF200  }
0x11c: {  	[tilespmem:s18], [sflag:$0x3] =	stream.indirect_vreg.gather [hbm4b:s28+s3], $0x80, v3, vm0, $0xb8;
	[tilespmem:$0x18200] =	vst v63  }
0x11d: {  	s19 =	simm.s32 $0xFA00  }
0x11e: {  	[tilespmem:s19], [sflag:$0x3] =	stream.indirect_vreg.gather [hbm4b:s4+s3], $0x80, v3, vm0, $0xb8;
	[tilespmem:$0x18200] =	vst v63  }
0x11f: {  	s17 =	simm.s32 $0x10200  }
0x120: {  	[tilespmem:s17], [sflag:$0x3] =	stream.indirect_vreg.gather [hbm4b:s5+s3], $0x80, v3, vm0, $0xb8;
	[tilespmem:$0x18200] =	vst v63  }
0x121: {  	s18 =	simm.s32 $0x10A00  }
0x122: {  	[tilespmem:s18], [sflag:$0x3] =	stream.indirect_vreg.gather [hbm4b:s6+s3], $0x80, v3, vm0, $0xb8;
	[tilespmem:$0x18200] =	vst v63  }
0x123: {  	s19 =	simm.s32 $0x11200  }
0x124: {  	[tilespmem:s19], [sflag:$0x3] =	stream.indirect_vreg.gather [hbm4b:s7+s3], $0x80, v3, vm0, $0xb8;
	[tilespmem:$0x18200] =	vst v63  }
0x125: {  	s17 =	simm.s32 $0x11A00  }
0x126: {  	[tilespmem:s17], [sflag:$0x3] =	stream.indirect_vreg.gather [hbm4b:s8+s3], $0x80, v3, vm0, $0xb8;
	[tilespmem:$0x18200] =	vst v63  }
0x127: {  	s17 =	simm.s32 $0x4  }
0x128: {  	_ =	swait.ge [sflag:s17], $0x6000  }
0x129: {  	[sflag:s17] =	ssyncset.done $0x0  }
0x12a: {  	s18 =	rddreg [dreg:$0xe];
	[sflag:s17] =	ssyncadd.s32 $0xFFFFA000  }
0x12b: {  	[hbm4b:s18+s3] =	stream.linear.scatter [tilespmem:s11], [sflag:$0x8], $0x6000, $0x38;
	[tilespmem:$0x18200] =	vst v63  }
0x12c: {  	s18 =	simm.s32 $0x8  }
0x12d: {  	_ =	swait.ge [sflag:s18], $0x6000  }
0x12e: {  	[sflag:s18] =	ssyncset.done $0x0  }
0x12f: {  	s19 =	simm.s32 $0x180;
	s1 =	rddreg [dreg:$0xf];
	[sflag:s18] =	ssyncadd.s32 $0xFFFFA000  }
0x130: {  	[tilespmem:s19], [sflag:$0x9] =	stream.linear.gather [hbm4b:s1+s3], $0x10, $0x38;
	[tilespmem:$0x18200] =	vst v63  }
0x131: {  	_ =	swait.ge [sflag:s10], $0x10  }
0x132: {  	[sflag:s10] =	ssyncset.done $0x0  }
0x133: {  	[sflag:s10] =	ssyncadd.s32 $0xFFFFFFF0  }
0x134: {  	v3 =	vld [tilespmem:$0x180];
	_ =	sdelay $0x4  }
0x135: {  	v63 =	vshrl.u32 v3, $0x3  }
0x136: {  	v4 =	vmul.u32 $0x60, v63  }
0x137: {  	v3 =	vand.u32 $0x7, v3  }
0x138: {  	v3 =	vor.u32 v3, v4  }
0x139: {  	v4 =	vperm.xlane v3, v0;
	_ =	sdelay $0x1  }
0x13a: {  	v4 =	vadd.s32 v1, v4;
	_ =	sdelay $0x4  }
0x13b: {  	[tilespmem:s11], [sflag:$0x4] =	stream.indirect_vreg.gather [hbm4b:s28+s3], $0x80, v4, vm0, $0xb8;
	[tilespmem:$0x18200] =	vst v63  }
0x13c: {  	s19 =	simm.s32 $0x12A00  }
0x13d: {  	[tilespmem:s19], [sflag:$0x4] =	stream.indirect_vreg.gather [hbm4b:s4+s3], $0x80, v4, vm0, $0xb8;
	[tilespmem:$0x18200] =	vst v63  }
0x13e: {  	s19 =	simm.s32 $0x13200  }
0x13f: {  	[tilespmem:s19], [sflag:$0x4] =	stream.indirect_vreg.gather [hbm4b:s5+s3], $0x80, v4, vm0, $0xb8;
	[tilespmem:$0x18200] =	vst v63  }
0x140: {  	v3 =	vperm.xlane v3, v2;
	s19 =	simm.s32 $0x13A00  }
0x141: {  	[tilespmem:s19], [sflag:$0x4] =	stream.indirect_vreg.gather [hbm4b:s6+s3], $0x80, v4, vm0, $0xb8;
	[tilespmem:$0x18200] =	vst v63  }
0x142: {  	v3 =	vadd.s32 v1, v3;
	s19 =	simm.s32 $0x14200  }
0x143: {  	[tilespmem:s19], [sflag:$0x4] =	stream.indirect_vreg.gather [hbm4b:s7+s3], $0x80, v4, vm0, $0xb8;
	[tilespmem:$0x18200] =	vst v63  }
0x144: {  	s19 =	simm.s32 $0x14A00  }
0x145: {  	[tilespmem:s19], [sflag:$0x4] =	stream.indirect_vreg.gather [hbm4b:s8+s3], $0x80, v4, vm0, $0xb8;
	[tilespmem:$0x18200] =	vst v63  }
0x146: {  	s19 =	simm.s32 $0x15200  }
0x147: {  	[tilespmem:s19], [sflag:$0x4] =	stream.indirect_vreg.gather [hbm4b:s28+s3], $0x80, v3, vm0, $0xb8;
	[tilespmem:$0x18200] =	vst v63  }
0x148: {  	s19 =	simm.s32 $0x15A00  }
0x149: {  	[tilespmem:s19], [sflag:$0x4] =	stream.indirect_vreg.gather [hbm4b:s4+s3], $0x80, v3, vm0, $0xb8;
	[tilespmem:$0x18200] =	vst v63  }
0x14a: {  	s19 =	simm.s32 $0x16200  }
0x14b: {  	[tilespmem:s19], [sflag:$0x4] =	stream.indirect_vreg.gather [hbm4b:s5+s3], $0x80, v3, vm0, $0xb8;
	[tilespmem:$0x18200] =	vst v63  }
0x14c: {  	s19 =	simm.s32 $0x16A00  }
0x14d: {  	[tilespmem:s19], [sflag:$0x4] =	stream.indirect_vreg.gather [hbm4b:s6+s3], $0x80, v3, vm0, $0xb8;
	[tilespmem:$0x18200] =	vst v63  }
0x14e: {  	s19 =	simm.s32 $0x17200  }
0x14f: {  	[tilespmem:s19], [sflag:$0x4] =	stream.indirect_vreg.gather [hbm4b:s7+s3], $0x80, v3, vm0, $0xb8;
	[tilespmem:$0x18200] =	vst v63  }
0x150: {  	s19 =	simm.s32 $0x17A00  }
0x151: {  	[tilespmem:s19], [sflag:$0x4] =	stream.indirect_vreg.gather [hbm4b:s8+s3], $0x80, v3, vm0, $0xb8;
	[tilespmem:$0x18200] =	vst v63  }
0x152: {  	_ =	swait.ge [sflag:s0], $0x6000  }
0x153: {  	[sflag:s0] =	ssyncset.done $0x0  }
0x154: {  	s26 =	simm.s32 $0x200;
	s19 =	rddreg [dreg:$0x10];
	[sflag:s0] =	ssyncadd.s32 $0xFFFFA000  }
0x155: {  	[hbm4b:s19+s3] =	stream.linear.scatter [tilespmem:s26], [sflag:$0x5], $0x6000, $0x38;
	[tilespmem:$0x18200] =	vst v63  }
0x156: {  	_ =	swait.ge [sflag:s13], $0x6000  }
0x157: {  	[sflag:s13] =	ssyncset.done $0x0  }
0x158: {  	s0 =	rddreg [dreg:$0x11];
	[sflag:s13] =	ssyncadd.s32 $0xFFFFA000  }
0x159: {  	[hbm4b:s0+s3] =	stream.linear.scatter [tilespmem:s24], [sflag:$0x6], $0x6000, $0x38;
	[tilespmem:$0x18200] =	vst v63  }
0x15a: {  	_ =	swait.ge [sflag:s15], $0x6000  }
0x15b: {  	[sflag:s15] =	ssyncset.done $0x0  }
0x15c: {  	s19 =	rddreg [dreg:$0x12];
	[sflag:s15] =	ssyncadd.s32 $0xFFFFA000  }
0x15d: {  	[hbm4b:s19+s3] =	stream.linear.scatter [tilespmem:s12], [sflag:$0x7], $0x6000, $0x38;
	[tilespmem:$0x18200] =	vst v63  }
0x15e: {  	_ =	swait.ge [sflag:s17], $0x6000  }
0x15f: {  	[sflag:s17] =	ssyncset.done $0x0  }
0x160: {  	s26 =	rddreg [dreg:$0x13];
	[sflag:s17] =	ssyncadd.s32 $0xFFFFA000  }
0x161: {  	[hbm4b:s26+s3] =	stream.linear.scatter [tilespmem:s11], [sflag:$0x8], $0x6000, $0x38;
	[tilespmem:$0x18200] =	vst v63  }
0x162: {  	_ =	swait.ge [sflag:s2], $0x6000  }
0x163: {  	[sflag:s2] =	ssyncset.done $0x0  }
0x164: {  	[sflag:s2] =	ssyncadd.s32 $0xFFFFA000  }
0x165: {  	_ =	swait.ge [sflag:s14], $0x6000  }
0x166: {  	[sflag:s14] =	ssyncset.done $0x0  }
0x167: {  	[sflag:s14] =	ssyncadd.s32 $0xFFFFA000  }
0x168: {  	p0 =	sne.s32 s9, $0x1;
	_ =	swait.ge [sflag:s16], $0x6000  }
.Ltmp0:
0x169: {  	[sflag:s16] =	ssyncset.done $0x0;
	(pc) =	sbr.rel @p0 .LBB2_1-.Ltmp0, $4  }
0x16a: {  	[sflag:s16] =	ssyncadd.s32 $0xFFFFA000  }
0x16b: {  	_ =	swait.ge [sflag:s18], $0x6000  }
0x16c: {  	[sflag:s18] =	ssyncset.done $0x0  }
0x16d: {  	s9 =	sadd.s32 $0xFFFFFFFF, s9;
	[sflag:s18] =	ssyncadd.s32 $0xFFFFA000  }
0x16e: {  	_ =	sfence.sel $0x180000  }
0x16f: {  	[bflag:$0x0] =	sbarrier.arrive $0xFFFF  }
0x170: {  	_ =	strace $0x90000047  }
0x171: {  	s0 =	stileid.u32;
	[bflag:$0x2] =	sbarrier.arrive $0xFFFF  }
0x172: {  	p0 =	sne.s32 s0, $0x0;
	s0 =	rddreg [dreg:$0x3]  }
0x173: {  	s0 =	sadd.s32 @!p0 $0x100000, s0  }
0x174: {  	[sflag:s0] =	ssyncadd.tile.s32 @!p0 $0x1;
	_ =	shalt  }
.Lfunc_end2:
_tile_overlayer_lowered:
.L_overlay_start_2:
0x175: {  	(tag) =	ssettag $0x2  }
0x176: {  	s0 =	rddreg [dreg:$0x0];
	s2 =	stileid.u32  }
0x177: {  	s1 =	rddreg [dreg:$0x1];
	p0 =	sne.s32 s2, $0x0  }
0x178: {  	s3 =	rddreg [dreg:$0x2];
	[bflag:$0x3] =	sbarrier.arrive $0xFFFF;
	s2 =	simm.s32 @!p0 $0x1C09  }
0x179: {  	[timem:s3], [sflag:s2] =	dma.local @!p0 [hbm:s0], s1  }
0x17a: {  	s0 =	simm.s32 @!p0 $0x9  }
0x17b: {  	_ =	swait.ge @!p0 [sflag:s0], s1  }
0x17c: {  	s1 =	ssub.s32 @!p0 $0x0, s1;
	[sflag:s0] =	ssyncset.done @!p0 $0x0  }
0x17d: {  	[sflag:s0] =	ssyncadd.s32 @!p0 s1  }
0x17e: {  	[bflag:$0x3] =	sbarrier.arrive $0xFFFF  }
0x17f: {  	_ =	shalt  }

</sc_bundles>
